<compile_context>
chip_gen: v7x
topology: tpu7x:2x2x1
jax: 0.10.2.dev20260603
libtpu: 0.0.44.dev20260713+nightly
codegen_flags: <defaults>
</compile_context>

<pallas_src>
import functools

import jax
import jax.numpy as jnp
from jax import lax
from jax.experimental import pallas as pl
from jax.experimental.pallas import tpu as pltpu
from jax.experimental.pallas import tpu_sc as plsc

_LANES = 16
_NBUF = 2


@functools.lru_cache(maxsize=None)
def _build(n, b_main, chunks, tail, table_len, num_cores, num_subcores):
    nw = num_cores * num_subcores
    nchunks = len(chunks)
    chunk = max(chunks)
    offs = [sum(chunks[:i]) for i in range(nchunks)]
    mesh = plsc.VectorSubcoreMesh(core_axis_name="c", subcore_axis_name="s")

    @functools.partial(
        pl.kernel,
        mesh=mesh,
        compiler_params=pltpu.CompilerParams(needs_layout_passes=False),
        out_type=jax.ShapeDtypeStruct((n,), jnp.float32),
        scratch_types=(
            [pltpu.VMEM((chunk,), jnp.int32) for _ in range(_NBUF)]
            + [pltpu.VMEM((chunk,), jnp.float32) for _ in range(2 * _NBUF)]
            + [
                pltpu.VMEM((table_len,), jnp.float32),
                pltpu.VMEM((table_len,), jnp.float32),
            ]
            + [pltpu.SemaphoreType.DMA for _ in range(2 * _NBUF)]
        ),
    )
    def run(z_hbm, e_hbm, shift_hbm, scale_hbm, out_hbm, *rest):
        z_bufs = rest[:_NBUF]
        e_bufs = rest[_NBUF:2 * _NBUF]
        out_bufs = rest[2 * _NBUF:3 * _NBUF]
        shift_v = rest[3 * _NBUF]
        scale_v = rest[3 * _NBUF + 1]
        in_sems = rest[3 * _NBUF + 2:4 * _NBUF + 2]
        out_sems = rest[4 * _NBUF + 2:5 * _NBUF + 2]
        z_v0, e_v0, out_v0 = z_bufs[0], e_bufs[0], out_bufs[0]
        wid = lax.axis_index("s") * num_cores + lax.axis_index("c")
        base = wid * b_main

        def fetch(k, slot):
            cb = base + offs[k]
            cnt = chunks[k]
            hz = pltpu.async_copy(z_hbm.at[pl.ds(cb, cnt)],
                                  z_bufs[slot].at[pl.ds(0, cnt)],
                                  in_sems[slot])
            he = pltpu.async_copy(e_hbm.at[pl.ds(cb, cnt)],
                                  e_bufs[slot].at[pl.ds(0, cnt)],
                                  in_sems[slot])
            return hz, he

        def compute(slot, count, unroll):
            @plsc.parallel_loop(0, count, _LANES, unroll=unroll)
            def step(i):
                sl = pl.ds(i, _LANES)
                z = z_bufs[slot][sl]
                e = e_bufs[slot][sl]
                s = plsc.load_gather(scale_v, [z])
                t = plsc.load_gather(shift_v, [z])
                out_bufs[slot][sl] = e * s + t

        in_handles = [None] * _NBUF
        out_handles = [None] * _NBUF
        in_handles[0] = fetch(0, 0)
        ht = pltpu.async_copy(shift_hbm, shift_v, out_sems[0])
        hs = pltpu.async_copy(scale_hbm, scale_v, out_sems[1])
        for k in range(1, min(_NBUF - 1, nchunks)):
            in_handles[k] = fetch(k, k)
        ht.wait()
        hs.wait()
        for k in range(nchunks):
            slot = k % _NBUF
            nxt = k + _NBUF - 1
            if nxt < nchunks:
                in_handles[nxt % _NBUF] = fetch(nxt, nxt % _NBUF)
            for h in in_handles[slot]:
                h.wait()
            if out_handles[slot] is not None:
                out_handles[slot].wait()
            compute(slot, chunks[k], 4)
            out_handles[slot] = pltpu.async_copy(
                out_bufs[slot].at[pl.ds(0, chunks[k])],
                out_hbm.at[pl.ds(base + offs[k], chunks[k])],
                out_sems[slot])
        for h in out_handles:
            if h is not None:
                h.wait()

        if tail:
            @pl.when(wid == nw - 1)
            def _():
                tb = nw * b_main
                pltpu.sync_copy(z_hbm.at[pl.ds(tb, tail)],
                                z_v0.at[pl.ds(0, tail)])
                pltpu.sync_copy(e_hbm.at[pl.ds(tb, tail)],
                                e_v0.at[pl.ds(0, tail)])
                compute(0, tail, 1)
                pltpu.sync_copy(out_v0.at[pl.ds(0, tail)],
                                out_hbm.at[pl.ds(tb, tail)])

    return run


def _pick_chunks(b_main):
    for d in range(1, b_main // _LANES + 1):
        if b_main % d == 0:
            c = b_main // d
            if c % _LANES == 0 and c <= 12288:
                return (c,) * d
    return (b_main,)


def kernel(atomic_numbers, atomic_energies, shift, scale):
    n = atomic_numbers.shape[0]
    info = plsc.get_sparse_core_info()
    nw = info.num_cores * info.num_subcores

    z = atomic_numbers.astype(jnp.int32)
    e = atomic_energies.astype(jnp.float32)
    if n % _LANES:
        pad = _LANES - n % _LANES
        z = jnp.pad(z, (0, pad))
        e = jnp.pad(e, (0, pad))
    n_pad = z.shape[0]
    b_main = (n_pad // (nw * _LANES)) * _LANES
    tail = n_pad - b_main * nw
    chunks = _pick_chunks(b_main)

    out = _build(n_pad, b_main, chunks, tail, shift.shape[0],
                 info.num_cores, info.num_subcores)(z, e, shift, scale)
    return out[:n]

# --- scband reference (transcript-rebuilt; emitter-appended) ---
"""Pipeline reference for scband-atomic-scaling-43722767073344 (READ-ONLY COPY).

The authoritative reference and input builder live on the scoring server;
editing this copy changes nothing except your own understanding.
"""

import jax, jax.numpy as jnp
import numpy as np

N = 1000000
NUM_ELEMENTS = 108

def setup_inputs(seed: int = 0) -> dict:
    key = jax.random.key(seed)
    k1, k2 = jax.random.split(key)
    atomic_numbers = jax.random.randint(k1, (N,), 0, NUM_ELEMENTS + 1, dtype=jnp.int64 if jax.config.jax_enable_x64 else jnp.int32)
    atomic_energies = jax.random.normal(k2, (N,), dtype=jnp.float32)
    shift = jnp.zeros((NUM_ELEMENTS + 1,), dtype=jnp.float32)
    scale = jnp.ones((NUM_ELEMENTS + 1,), dtype=jnp.float32)
    return {"atomic_numbers": atomic_numbers, "atomic_energies": atomic_energies, "shift": shift, "scale": scale}

def reference(atomic_numbers, atomic_energies, shift, scale):
    # forward == denormalize: energies * scale[z] + shift[z]
    shifts = jnp.take(shift, atomic_numbers, axis=0)
    scales = jnp.take(scale, atomic_numbers, axis=0)
    return atomic_energies * scales + shifts

if __name__ == "__main__":
    import jax
    _d = setup_inputs()
    print(jax.jit(kernel)(*tuple(_d.values())))

</pallas_src>

<mosaic_0001>
#map = affine_map<(d0, d1) -> (0)>
module attributes {stable_mosaic.version = 14 : i64} {
  func.func @run(%arg0: i32, %arg1: i32, %arg2: memref<1000000xi32, #tpu.memory_space<hbm>>, %arg3: memref<1000000xf32, #tpu.memory_space<hbm>>, %arg4: memref<109xf32, #tpu.memory_space<hbm>>, %arg5: memref<109xf32, #tpu.memory_space<hbm>>, %arg6: memref<1000000xf32, #tpu.memory_space<hbm>>, %arg7: memref<10416xi32, #tpu.memory_space<vmem>>, %arg8: memref<10416xi32, #tpu.memory_space<vmem>>, %arg9: memref<10416xf32, #tpu.memory_space<vmem>>, %arg10: memref<10416xf32, #tpu.memory_space<vmem>>, %arg11: memref<10416xf32, #tpu.memory_space<vmem>>, %arg12: memref<10416xf32, #tpu.memory_space<vmem>>, %arg13: memref<109xf32, #tpu.memory_space<vmem>>, %arg14: memref<109xf32, #tpu.memory_space<vmem>>, %arg15: memref<!tpu.dma_semaphore, #tpu.memory_space<semaphore_mem>>, %arg16: memref<!tpu.dma_semaphore, #tpu.memory_space<semaphore_mem>>, %arg17: memref<!tpu.dma_semaphore, #tpu.memory_space<semaphore_mem>>, %arg18: memref<!tpu.dma_semaphore, #tpu.memory_space<semaphore_mem>>) attributes {dimension_semantics = [#tpu.dimension_semantics<core_parallel>, #tpu.dimension_semantics<subcore_parallel>], iteration_bounds = array<i64: 2, 16>, scalar_prefetch = 0 : i64, scratch_operands = 12 : i64, tpu.core_type = #tpu.core_type<sc_vector_subcore>, window_params = [{transform_indices = #map}, {transform_indices = #map}, {transform_indices = #map}, {transform_indices = #map}, {transform_indices = #map}]} {
    %mul3A = arith.constant 2 : i32
    %mul3A_0 = arith.muli %arg1, %mul3A : i32
    %add3A = arith.addi %mul3A_0, %arg0 : i32
    %mul3A_1 = arith.constant 31248 : i32
    %mul3A_2 = arith.muli %add3A, %mul3A_1 : i32
    %add3A_3 = arith.constant 0 : i32
    %add3A_4 = arith.addi %mul3A_2, %add3A_3 : i32
    %dma_start3A = arith.constant 0 : i32
    %dma_start3A_5 = tpu.memref_slice %arg7[%dma_start3A] : memref<10416xi32, #tpu.memory_space<vmem>> -> memref<10416xi32, #tpu.memory_space<vmem>>
    %dma_start3A_6 = tpu.memref_slice %arg2[%add3A_4] : memref<1000000xi32, #tpu.memory_space<hbm>> -> memref<10416xi32, #tpu.memory_space<hbm>>
    %dma_start3A_7 = arith.constant 0 : i32
    %dma_start3A_8 = tpu.memref_slice %arg7[%dma_start3A_7] : memref<10416xi32, #tpu.memory_space<vmem>> -> memref<10416xi32, #tpu.memory_space<vmem>>
    %dma_start3A_9 = tpu.memref_slice %arg2[%add3A_4] : memref<1000000xi32, #tpu.memory_space<hbm>> -> memref<10416xi32, #tpu.memory_space<hbm>>
    tpu.enqueue_dma source(%dma_start3A_9 : memref<10416xi32, #tpu.memory_space<hbm>>) target(%dma_start3A_8 : memref<10416xi32, #tpu.memory_space<vmem>>) target_semaphore(%arg15 : memref<!tpu.dma_semaphore, #tpu.memory_space<semaphore_mem>>)
    %dma_start3A_10 = arith.constant 0 : i32
    %dma_start3A_11 = tpu.memref_slice %arg9[%dma_start3A_10] : memref<10416xf32, #tpu.memory_space<vmem>> -> memref<10416xf32, #tpu.memory_space<vmem>>
    %dma_start3A_12 = tpu.memref_slice %arg3[%add3A_4] : memref<1000000xf32, #tpu.memory_space<hbm>> -> memref<10416xf32, #tpu.memory_space<hbm>>
    %dma_start3A_13 = arith.constant 0 : i32
    %dma_start3A_14 = tpu.memref_slice %arg9[%dma_start3A_13] : memref<10416xf32, #tpu.memory_space<vmem>> -> memref<10416xf32, #tpu.memory_space<vmem>>
    %dma_start3A_15 = tpu.memref_slice %arg3[%add3A_4] : memref<1000000xf32, #tpu.memory_space<hbm>> -> memref<10416xf32, #tpu.memory_space<hbm>>
    tpu.enqueue_dma source(%dma_start3A_15 : memref<10416xf32, #tpu.memory_space<hbm>>) target(%dma_start3A_14 : memref<10416xf32, #tpu.memory_space<vmem>>) target_semaphore(%arg15 : memref<!tpu.dma_semaphore, #tpu.memory_space<semaphore_mem>>)
    tpu.enqueue_dma source(%arg4 : memref<109xf32, #tpu.memory_space<hbm>>) target(%arg13 : memref<109xf32, #tpu.memory_space<vmem>>) target_semaphore(%arg17 : memref<!tpu.dma_semaphore, #tpu.memory_space<semaphore_mem>>)
    tpu.enqueue_dma source(%arg5 : memref<109xf32, #tpu.memory_space<hbm>>) target(%arg14 : memref<109xf32, #tpu.memory_space<vmem>>) target_semaphore(%arg18 : memref<!tpu.dma_semaphore, #tpu.memory_space<semaphore_mem>>)
    tpu.wait_dma2 semaphore(%arg17 : memref<!tpu.dma_semaphore, #tpu.memory_space<semaphore_mem>>) src(%arg4 : memref<109xf32, #tpu.memory_space<hbm>>) dst(%arg13 : memref<109xf32, #tpu.memory_space<vmem>>)
    tpu.wait_dma2 semaphore(%arg18 : memref<!tpu.dma_semaphore, #tpu.memory_space<semaphore_mem>>) src(%arg5 : memref<109xf32, #tpu.memory_space<hbm>>) dst(%arg14 : memref<109xf32, #tpu.memory_space<vmem>>)
    %add3A_16 = arith.constant 10416 : i32
    %add3A_17 = arith.addi %mul3A_2, %add3A_16 : i32
    %dma_start3A_18 = arith.constant 0 : i32
    %dma_start3A_19 = tpu.memref_slice %arg8[%dma_start3A_18] : memref<10416xi32, #tpu.memory_space<vmem>> -> memref<10416xi32, #tpu.memory_space<vmem>>
    %dma_start3A_20 = tpu.memref_slice %arg2[%add3A_17] : memref<1000000xi32, #tpu.memory_space<hbm>> -> memref<10416xi32, #tpu.memory_space<hbm>>
    %dma_start3A_21 = arith.constant 0 : i32
    %dma_start3A_22 = tpu.memref_slice %arg8[%dma_start3A_21] : memref<10416xi32, #tpu.memory_space<vmem>> -> memref<10416xi32, #tpu.memory_space<vmem>>
    %dma_start3A_23 = tpu.memref_slice %arg2[%add3A_17] : memref<1000000xi32, #tpu.memory_space<hbm>> -> memref<10416xi32, #tpu.memory_space<hbm>>
    tpu.enqueue_dma source(%dma_start3A_23 : memref<10416xi32, #tpu.memory_space<hbm>>) target(%dma_start3A_22 : memref<10416xi32, #tpu.memory_space<vmem>>) target_semaphore(%arg16 : memref<!tpu.dma_semaphore, #tpu.memory_space<semaphore_mem>>)
    %dma_start3A_24 = arith.constant 0 : i32
    %dma_start3A_25 = tpu.memref_slice %arg10[%dma_start3A_24] : memref<10416xf32, #tpu.memory_space<vmem>> -> memref<10416xf32, #tpu.memory_space<vmem>>
    %dma_start3A_26 = tpu.memref_slice %arg3[%add3A_17] : memref<1000000xf32, #tpu.memory_space<hbm>> -> memref<10416xf32, #tpu.memory_space<hbm>>
    %dma_start3A_27 = arith.constant 0 : i32
    %dma_start3A_28 = tpu.memref_slice %arg10[%dma_start3A_27] : memref<10416xf32, #tpu.memory_space<vmem>> -> memref<10416xf32, #tpu.memory_space<vmem>>
    %dma_start3A_29 = tpu.memref_slice %arg3[%add3A_17] : memref<1000000xf32, #tpu.memory_space<hbm>> -> memref<10416xf32, #tpu.memory_space<hbm>>
    tpu.enqueue_dma source(%dma_start3A_29 : memref<10416xf32, #tpu.memory_space<hbm>>) target(%dma_start3A_28 : memref<10416xf32, #tpu.memory_space<vmem>>) target_semaphore(%arg16 : memref<!tpu.dma_semaphore, #tpu.memory_space<semaphore_mem>>)
    %dma_wait3A = arith.constant 0 : i32
    %dma_wait3A_30 = tpu.memref_slice %arg7[%dma_wait3A] : memref<10416xi32, #tpu.memory_space<vmem>> -> memref<10416xi32, #tpu.memory_space<vmem>>
    %dma_wait3A_31 = tpu.memref_slice %arg2[%add3A_4] : memref<1000000xi32, #tpu.memory_space<hbm>> -> memref<10416xi32, #tpu.memory_space<hbm>>
    %dma_wait3A_32 = arith.constant 0 : i32
    %dma_wait3A_33 = tpu.memref_slice %arg7[%dma_wait3A_32] : memref<10416xi32, #tpu.memory_space<vmem>> -> memref<10416xi32, #tpu.memory_space<vmem>>
    %dma_wait3A_34 = tpu.memref_slice %arg2[%add3A_4] : memref<1000000xi32, #tpu.memory_space<hbm>> -> memref<10416xi32, #tpu.memory_space<hbm>>
    tpu.wait_dma2 semaphore(%arg15 : memref<!tpu.dma_semaphore, #tpu.memory_space<semaphore_mem>>) src(%dma_wait3A_34 : memref<10416xi32, #tpu.memory_space<hbm>>) dst(%dma_wait3A_33 : memref<10416xi32, #tpu.memory_space<vmem>>)
    %dma_wait3A_35 = arith.constant 0 : i32
    %dma_wait3A_36 = tpu.memref_slice %arg9[%dma_wait3A_35] : memref<10416xf32, #tpu.memory_space<vmem>> -> memref<10416xf32, #tpu.memory_space<vmem>>
    %dma_wait3A_37 = tpu.memref_slice %arg3[%add3A_4] : memref<1000000xf32, #tpu.memory_space<hbm>> -> memref<10416xf32, #tpu.memory_space<hbm>>
    %dma_wait3A_38 = arith.constant 0 : i32
    %dma_wait3A_39 = tpu.memref_slice %arg9[%dma_wait3A_38] : memref<10416xf32, #tpu.memory_space<vmem>> -> memref<10416xf32, #tpu.memory_space<vmem>>
    %dma_wait3A_40 = tpu.memref_slice %arg3[%add3A_4] : memref<1000000xf32, #tpu.memory_space<hbm>> -> memref<10416xf32, #tpu.memory_space<hbm>>
    tpu.wait_dma2 semaphore(%arg15 : memref<!tpu.dma_semaphore, #tpu.memory_space<semaphore_mem>>) src(%dma_wait3A_40 : memref<10416xf32, #tpu.memory_space<hbm>>) dst(%dma_wait3A_39 : memref<10416xf32, #tpu.memory_space<vmem>>)
    %parallel_loop3A = arith.constant 0 : i32
    %parallel_loop3A_41 = arith.constant 10416 : i32
    %parallel_loop3A_42 = arith.constant 16 : i32
    scf.for %parallel_loop3A_131 = %parallel_loop3A to %parallel_loop3A_41 step %parallel_loop3A_42  : i32 {
      %parallel_loop3A_132 = arith.index_cast %parallel_loop3A_131 : i32 to index
      %parallel_loop3A_133 = tpu.vector_load %arg7[%parallel_loop3A_132] {strides = array<i32>} : memref<10416xi32, #tpu.memory_space<vmem>>, vector<16xi32>,
      %parallel_loop3A_134 = arith.index_cast %parallel_loop3A_131 : i32 to index
      %parallel_loop3A_135 = tpu.vector_load %arg9[%parallel_loop3A_134] {strides = array<i32>} : memref<10416xf32, #tpu.memory_space<vmem>>, vector<16xf32>,
      %parallel_loop3A_136 = tpu.vector_load_idx %arg14[%parallel_loop3A_133] : memref<109xf32, #tpu.memory_space<vmem>>[vector<16xi32>], vector<16xf32>,
      %parallel_loop3A_137 = tpu.vector_load_idx %arg13[%parallel_loop3A_133] : memref<109xf32, #tpu.memory_space<vmem>>[vector<16xi32>], vector<16xf32>,
      %parallel_loop3A_138 = arith.mulf %parallel_loop3A_135, %parallel_loop3A_136 : vector<16xf32>
      %parallel_loop3A_139 = arith.addf %parallel_loop3A_138, %parallel_loop3A_137 : vector<16xf32>
      %parallel_loop3A_140 = arith.index_cast %parallel_loop3A_131 : i32 to index
      %parallel_loop3A_141 = tpu.vector_load %arg11[%parallel_loop3A_140] {strides = array<i32>} : memref<10416xf32, #tpu.memory_space<vmem>>, vector<16xf32>,
      tpu.vector_store %arg11[%parallel_loop3A_140], %parallel_loop3A_139 {strides = array<i32>} : memref<10416xf32, #tpu.memory_space<vmem>>, vector<16xf32>,
    } {sc.loop_unroll_factor = 4 : i64, sc.parallel_access}
    %add3A_43 = arith.constant 0 : i32
    %add3A_44 = arith.addi %mul3A_2, %add3A_43 : i32
    %dma_start3A_45 = arith.constant 0 : i32
    %dma_start3A_46 = tpu.memref_slice %arg11[%dma_start3A_45] : memref<10416xf32, #tpu.memory_space<vmem>> -> memref<10416xf32, #tpu.memory_space<vmem>>
    %dma_start3A_47 = tpu.memref_slice %arg6[%add3A_44] : memref<1000000xf32, #tpu.memory_space<hbm>> -> memref<10416xf32, #tpu.memory_space<hbm>>
    %dma_start3A_48 = tpu.memref_slice %arg6[%add3A_44] : memref<1000000xf32, #tpu.memory_space<hbm>> -> memref<10416xf32, #tpu.memory_space<hbm>>
    %dma_start3A_49 = arith.constant 0 : i32
    %dma_start3A_50 = tpu.memref_slice %arg11[%dma_start3A_49] : memref<10416xf32, #tpu.memory_space<vmem>> -> memref<10416xf32, #tpu.memory_space<vmem>>
    tpu.enqueue_dma source(%dma_start3A_50 : memref<10416xf32, #tpu.memory_space<vmem>>) target(%dma_start3A_48 : memref<10416xf32, #tpu.memory_space<hbm>>) target_semaphore(%arg17 : memref<!tpu.dma_semaphore, #tpu.memory_space<semaphore_mem>>)
    %add3A_51 = arith.constant 20832 : i32
    %add3A_52 = arith.addi %mul3A_2, %add3A_51 : i32
    %dma_start3A_53 = arith.constant 0 : i32
    %dma_start3A_54 = tpu.memref_slice %arg7[%dma_start3A_53] : memref<10416xi32, #tpu.memory_space<vmem>> -> memref<10416xi32, #tpu.memory_space<vmem>>
    %dma_start3A_55 = tpu.memref_slice %arg2[%add3A_52] : memref<1000000xi32, #tpu.memory_space<hbm>> -> memref<10416xi32, #tpu.memory_space<hbm>>
    %dma_start3A_56 = arith.constant 0 : i32
    %dma_start3A_57 = tpu.memref_slice %arg7[%dma_start3A_56] : memref<10416xi32, #tpu.memory_space<vmem>> -> memref<10416xi32, #tpu.memory_space<vmem>>
    %dma_start3A_58 = tpu.memref_slice %arg2[%add3A_52] : memref<1000000xi32, #tpu.memory_space<hbm>> -> memref<10416xi32, #tpu.memory_space<hbm>>
    tpu.enqueue_dma source(%dma_start3A_58 : memref<10416xi32, #tpu.memory_space<hbm>>) target(%dma_start3A_57 : memref<10416xi32, #tpu.memory_space<vmem>>) target_semaphore(%arg15 : memref<!tpu.dma_semaphore, #tpu.memory_space<semaphore_mem>>)
    %dma_start3A_59 = arith.constant 0 : i32
    %dma_start3A_60 = tpu.memref_slice %arg9[%dma_start3A_59] : memref<10416xf32, #tpu.memory_space<vmem>> -> memref<10416xf32, #tpu.memory_space<vmem>>
    %dma_start3A_61 = tpu.memref_slice %arg3[%add3A_52] : memref<1000000xf32, #tpu.memory_space<hbm>> -> memref<10416xf32, #tpu.memory_space<hbm>>
    %dma_start3A_62 = arith.constant 0 : i32
    %dma_start3A_63 = tpu.memref_slice %arg9[%dma_start3A_62] : memref<10416xf32, #tpu.memory_space<vmem>> -> memref<10416xf32, #tpu.memory_space<vmem>>
    %dma_start3A_64 = tpu.memref_slice %arg3[%add3A_52] : memref<1000000xf32, #tpu.memory_space<hbm>> -> memref<10416xf32, #tpu.memory_space<hbm>>
    tpu.enqueue_dma source(%dma_start3A_64 : memref<10416xf32, #tpu.memory_space<hbm>>) target(%dma_start3A_63 : memref<10416xf32, #tpu.memory_space<vmem>>) target_semaphore(%arg15 : memref<!tpu.dma_semaphore, #tpu.memory_space<semaphore_mem>>)
    %dma_wait3A_65 = arith.constant 0 : i32
    %dma_wait3A_66 = tpu.memref_slice %arg8[%dma_wait3A_65] : memref<10416xi32, #tpu.memory_space<vmem>> -> memref<10416xi32, #tpu.memory_space<vmem>>
    %dma_wait3A_67 = tpu.memref_slice %arg2[%add3A_17] : memref<1000000xi32, #tpu.memory_space<hbm>> -> memref<10416xi32, #tpu.memory_space<hbm>>
    %dma_wait3A_68 = arith.constant 0 : i32
    %dma_wait3A_69 = tpu.memref_slice %arg8[%dma_wait3A_68] : memref<10416xi32, #tpu.memory_space<vmem>> -> memref<10416xi32, #tpu.memory_space<vmem>>
    %dma_wait3A_70 = tpu.memref_slice %arg2[%add3A_17] : memref<1000000xi32, #tpu.memory_space<hbm>> -> memref<10416xi32, #tpu.memory_space<hbm>>
    tpu.wait_dma2 semaphore(%arg16 : memref<!tpu.dma_semaphore, #tpu.memory_space<semaphore_mem>>) src(%dma_wait3A_70 : memref<10416xi32, #tpu.memory_space<hbm>>) dst(%dma_wait3A_69 : memref<10416xi32, #tpu.memory_space<vmem>>)
    %dma_wait3A_71 = arith.constant 0 : i32
    %dma_wait3A_72 = tpu.memref_slice %arg10[%dma_wait3A_71] : memref<10416xf32, #tpu.memory_space<vmem>> -> memref<10416xf32, #tpu.memory_space<vmem>>
    %dma_wait3A_73 = tpu.memref_slice %arg3[%add3A_17] : memref<1000000xf32, #tpu.memory_space<hbm>> -> memref<10416xf32, #tpu.memory_space<hbm>>
    %dma_wait3A_74 = arith.constant 0 : i32
    %dma_wait3A_75 = tpu.memref_slice %arg10[%dma_wait3A_74] : memref<10416xf32, #tpu.memory_space<vmem>> -> memref<10416xf32, #tpu.memory_space<vmem>>
    %dma_wait3A_76 = tpu.memref_slice %arg3[%add3A_17] : memref<1000000xf32, #tpu.memory_space<hbm>> -> memref<10416xf32, #tpu.memory_space<hbm>>
    tpu.wait_dma2 semaphore(%arg16 : memref<!tpu.dma_semaphore, #tpu.memory_space<semaphore_mem>>) src(%dma_wait3A_76 : memref<10416xf32, #tpu.memory_space<hbm>>) dst(%dma_wait3A_75 : memref<10416xf32, #tpu.memory_space<vmem>>)
    %parallel_loop3A_77 = arith.constant 0 : i32
    %parallel_loop3A_78 = arith.constant 10416 : i32
    %parallel_loop3A_79 = arith.constant 16 : i32
    scf.for %parallel_loop3A_131 = %parallel_loop3A_77 to %parallel_loop3A_78 step %parallel_loop3A_79  : i32 {
      %parallel_loop3A_132 = arith.index_cast %parallel_loop3A_131 : i32 to index
      %parallel_loop3A_133 = tpu.vector_load %arg8[%parallel_loop3A_132] {strides = array<i32>} : memref<10416xi32, #tpu.memory_space<vmem>>, vector<16xi32>,
      %parallel_loop3A_134 = arith.index_cast %parallel_loop3A_131 : i32 to index
      %parallel_loop3A_135 = tpu.vector_load %arg10[%parallel_loop3A_134] {strides = array<i32>} : memref<10416xf32, #tpu.memory_space<vmem>>, vector<16xf32>,
      %parallel_loop3A_136 = tpu.vector_load_idx %arg14[%parallel_loop3A_133] : memref<109xf32, #tpu.memory_space<vmem>>[vector<16xi32>], vector<16xf32>,
      %parallel_loop3A_137 = tpu.vector_load_idx %arg13[%parallel_loop3A_133] : memref<109xf32, #tpu.memory_space<vmem>>[vector<16xi32>], vector<16xf32>,
      %parallel_loop3A_138 = arith.mulf %parallel_loop3A_135, %parallel_loop3A_136 : vector<16xf32>
      %parallel_loop3A_139 = arith.addf %parallel_loop3A_138, %parallel_loop3A_137 : vector<16xf32>
      %parallel_loop3A_140 = arith.index_cast %parallel_loop3A_131 : i32 to index
      %parallel_loop3A_141 = tpu.vector_load %arg12[%parallel_loop3A_140] {strides = array<i32>} : memref<10416xf32, #tpu.memory_space<vmem>>, vector<16xf32>,
      tpu.vector_store %arg12[%parallel_loop3A_140], %parallel_loop3A_139 {strides = array<i32>} : memref<10416xf32, #tpu.memory_space<vmem>>, vector<16xf32>,
    } {sc.loop_unroll_factor = 4 : i64, sc.parallel_access}
    %add3A_80 = arith.constant 10416 : i32
    %add3A_81 = arith.addi %mul3A_2, %add3A_80 : i32
    %dma_start3A_82 = arith.constant 0 : i32
    %dma_start3A_83 = tpu.memref_slice %arg12[%dma_start3A_82] : memref<10416xf32, #tpu.memory_space<vmem>> -> memref<10416xf32, #tpu.memory_space<vmem>>
    %dma_start3A_84 = tpu.memref_slice %arg6[%add3A_81] : memref<1000000xf32, #tpu.memory_space<hbm>> -> memref<10416xf32, #tpu.memory_space<hbm>>
    %dma_start3A_85 = tpu.memref_slice %arg6[%add3A_81] : memref<1000000xf32, #tpu.memory_space<hbm>> -> memref<10416xf32, #tpu.memory_space<hbm>>
    %dma_start3A_86 = arith.constant 0 : i32
    %dma_start3A_87 = tpu.memref_slice %arg12[%dma_start3A_86] : memref<10416xf32, #tpu.memory_space<vmem>> -> memref<10416xf32, #tpu.memory_space<vmem>>
    tpu.enqueue_dma source(%dma_start3A_87 : memref<10416xf32, #tpu.memory_space<vmem>>) target(%dma_start3A_85 : memref<10416xf32, #tpu.memory_space<hbm>>) target_semaphore(%arg18 : memref<!tpu.dma_semaphore, #tpu.memory_space<semaphore_mem>>)
    %dma_wait3A_88 = arith.constant 0 : i32
    %dma_wait3A_89 = tpu.memref_slice %arg7[%dma_wait3A_88] : memref<10416xi32, #tpu.memory_space<vmem>> -> memref<10416xi32, #tpu.memory_space<vmem>>
    %dma_wait3A_90 = tpu.memref_slice %arg2[%add3A_52] : memref<1000000xi32, #tpu.memory_space<hbm>> -> memref<10416xi32, #tpu.memory_space<hbm>>
    %dma_wait3A_91 = arith.constant 0 : i32
    %dma_wait3A_92 = tpu.memref_slice %arg7[%dma_wait3A_91] : memref<10416xi32, #tpu.memory_space<vmem>> -> memref<10416xi32, #tpu.memory_space<vmem>>
    %dma_wait3A_93 = tpu.memref_slice %arg2[%add3A_52] : memref<1000000xi32, #tpu.memory_space<hbm>> -> memref<10416xi32, #tpu.memory_space<hbm>>
    tpu.wait_dma2 semaphore(%arg15 : memref<!tpu.dma_semaphore, #tpu.memory_space<semaphore_mem>>) src(%dma_wait3A_93 : memref<10416xi32, #tpu.memory_space<hbm>>) dst(%dma_wait3A_92 : memref<10416xi32, #tpu.memory_space<vmem>>)
    %dma_wait3A_94 = arith.constant 0 : i32
    %dma_wait3A_95 = tpu.memref_slice %arg9[%dma_wait3A_94] : memref<10416xf32, #tpu.memory_space<vmem>> -> memref<10416xf32, #tpu.memory_space<vmem>>
    %dma_wait3A_96 = tpu.memref_slice %arg3[%add3A_52] : memref<1000000xf32, #tpu.memory_space<hbm>> -> memref<10416xf32, #tpu.memory_space<hbm>>
    %dma_wait3A_97 = arith.constant 0 : i32
    %dma_wait3A_98 = tpu.memref_slice %arg9[%dma_wait3A_97] : memref<10416xf32, #tpu.memory_space<vmem>> -> memref<10416xf32, #tpu.memory_space<vmem>>
    %dma_wait3A_99 = tpu.memref_slice %arg3[%add3A_52] : memref<1000000xf32, #tpu.memory_space<hbm>> -> memref<10416xf32, #tpu.memory_space<hbm>>
    tpu.wait_dma2 semaphore(%arg15 : memref<!tpu.dma_semaphore, #tpu.memory_space<semaphore_mem>>) src(%dma_wait3A_99 : memref<10416xf32, #tpu.memory_space<hbm>>) dst(%dma_wait3A_98 : memref<10416xf32, #tpu.memory_space<vmem>>)
    %dma_wait3A_100 = arith.constant 0 : i32
    %dma_wait3A_101 = tpu.memref_slice %arg11[%dma_wait3A_100] : memref<10416xf32, #tpu.memory_space<vmem>> -> memref<10416xf32, #tpu.memory_space<vmem>>
    %dma_wait3A_102 = tpu.memref_slice %arg6[%add3A_44] : memref<1000000xf32, #tpu.memory_space<hbm>> -> memref<10416xf32, #tpu.memory_space<hbm>>
    %dma_wait3A_103 = tpu.memref_slice %arg6[%add3A_44] : memref<1000000xf32, #tpu.memory_space<hbm>> -> memref<10416xf32, #tpu.memory_space<hbm>>
    %dma_wait3A_104 = arith.constant 0 : i32
    %dma_wait3A_105 = tpu.memref_slice %arg11[%dma_wait3A_104] : memref<10416xf32, #tpu.memory_space<vmem>> -> memref<10416xf32, #tpu.memory_space<vmem>>
    tpu.wait_dma2 semaphore(%arg17 : memref<!tpu.dma_semaphore, #tpu.memory_space<semaphore_mem>>) src(%dma_wait3A_105 : memref<10416xf32, #tpu.memory_space<vmem>>) dst(%dma_wait3A_103 : memref<10416xf32, #tpu.memory_space<hbm>>)
    %parallel_loop3A_106 = arith.constant 0 : i32
    %parallel_loop3A_107 = arith.constant 10416 : i32
    %parallel_loop3A_108 = arith.constant 16 : i32
    scf.for %parallel_loop3A_131 = %parallel_loop3A_106 to %parallel_loop3A_107 step %parallel_loop3A_108  : i32 {
      %parallel_loop3A_132 = arith.index_cast %parallel_loop3A_131 : i32 to index
      %parallel_loop3A_133 = tpu.vector_load %arg7[%parallel_loop3A_132] {strides = array<i32>} : memref<10416xi32, #tpu.memory_space<vmem>>, vector<16xi32>,
      %parallel_loop3A_134 = arith.index_cast %parallel_loop3A_131 : i32 to index
      %parallel_loop3A_135 = tpu.vector_load %arg9[%parallel_loop3A_134] {strides = array<i32>} : memref<10416xf32, #tpu.memory_space<vmem>>, vector<16xf32>,
      %parallel_loop3A_136 = tpu.vector_load_idx %arg14[%parallel_loop3A_133] : memref<109xf32, #tpu.memory_space<vmem>>[vector<16xi32>], vector<16xf32>,
      %parallel_loop3A_137 = tpu.vector_load_idx %arg13[%parallel_loop3A_133] : memref<109xf32, #tpu.memory_space<vmem>>[vector<16xi32>], vector<16xf32>,
      %parallel_loop3A_138 = arith.mulf %parallel_loop3A_135, %parallel_loop3A_136 : vector<16xf32>
      %parallel_loop3A_139 = arith.addf %parallel_loop3A_138, %parallel_loop3A_137 : vector<16xf32>
      %parallel_loop3A_140 = arith.index_cast %parallel_loop3A_131 : i32 to index
      %parallel_loop3A_141 = tpu.vector_load %arg11[%parallel_loop3A_140] {strides = array<i32>} : memref<10416xf32, #tpu.memory_space<vmem>>, vector<16xf32>,
      tpu.vector_store %arg11[%parallel_loop3A_140], %parallel_loop3A_139 {strides = array<i32>} : memref<10416xf32, #tpu.memory_space<vmem>>, vector<16xf32>,
    } {sc.loop_unroll_factor = 4 : i64, sc.parallel_access}
    %add3A_109 = arith.constant 20832 : i32
    %add3A_110 = arith.addi %mul3A_2, %add3A_109 : i32
    %dma_start3A_111 = arith.constant 0 : i32
    %dma_start3A_112 = tpu.memref_slice %arg11[%dma_start3A_111] : memref<10416xf32, #tpu.memory_space<vmem>> -> memref<10416xf32, #tpu.memory_space<vmem>>
    %dma_start3A_113 = tpu.memref_slice %arg6[%add3A_110] : memref<1000000xf32, #tpu.memory_space<hbm>> -> memref<10416xf32, #tpu.memory_space<hbm>>
    %dma_start3A_114 = tpu.memref_slice %arg6[%add3A_110] : memref<1000000xf32, #tpu.memory_space<hbm>> -> memref<10416xf32, #tpu.memory_space<hbm>>
    %dma_start3A_115 = arith.constant 0 : i32
    %dma_start3A_116 = tpu.memref_slice %arg11[%dma_start3A_115] : memref<10416xf32, #tpu.memory_space<vmem>> -> memref<10416xf32, #tpu.memory_space<vmem>>
    tpu.enqueue_dma source(%dma_start3A_116 : memref<10416xf32, #tpu.memory_space<vmem>>) target(%dma_start3A_114 : memref<10416xf32, #tpu.memory_space<hbm>>) target_semaphore(%arg17 : memref<!tpu.dma_semaphore, #tpu.memory_space<semaphore_mem>>)
    %dma_wait3A_117 = arith.constant 0 : i32
    %dma_wait3A_118 = tpu.memref_slice %arg11[%dma_wait3A_117] : memref<10416xf32, #tpu.memory_space<vmem>> -> memref<10416xf32, #tpu.memory_space<vmem>>
    %dma_wait3A_119 = tpu.memref_slice %arg6[%add3A_110] : memref<1000000xf32, #tpu.memory_space<hbm>> -> memref<10416xf32, #tpu.memory_space<hbm>>
    %dma_wait3A_120 = tpu.memref_slice %arg6[%add3A_110] : memref<1000000xf32, #tpu.memory_space<hbm>> -> memref<10416xf32, #tpu.memory_space<hbm>>
    %dma_wait3A_121 = arith.constant 0 : i32
    %dma_wait3A_122 = tpu.memref_slice %arg11[%dma_wait3A_121] : memref<10416xf32, #tpu.memory_space<vmem>> -> memref<10416xf32, #tpu.memory_space<vmem>>
    tpu.wait_dma2 semaphore(%arg17 : memref<!tpu.dma_semaphore, #tpu.memory_space<semaphore_mem>>) src(%dma_wait3A_122 : memref<10416xf32, #tpu.memory_space<vmem>>) dst(%dma_wait3A_120 : memref<10416xf32, #tpu.memory_space<hbm>>)
    %dma_wait3A_123 = arith.constant 0 : i32
    %dma_wait3A_124 = tpu.memref_slice %arg12[%dma_wait3A_123] : memref<10416xf32, #tpu.memory_space<vmem>> -> memref<10416xf32, #tpu.memory_space<vmem>>
    %dma_wait3A_125 = tpu.memref_slice %arg6[%add3A_81] : memref<1000000xf32, #tpu.memory_space<hbm>> -> memref<10416xf32, #tpu.memory_space<hbm>>
    %dma_wait3A_126 = tpu.memref_slice %arg6[%add3A_81] : memref<1000000xf32, #tpu.memory_space<hbm>> -> memref<10416xf32, #tpu.memory_space<hbm>>
    %dma_wait3A_127 = arith.constant 0 : i32
    %dma_wait3A_128 = tpu.memref_slice %arg12[%dma_wait3A_127] : memref<10416xf32, #tpu.memory_space<vmem>> -> memref<10416xf32, #tpu.memory_space<vmem>>
    tpu.wait_dma2 semaphore(%arg18 : memref<!tpu.dma_semaphore, #tpu.memory_space<semaphore_mem>>) src(%dma_wait3A_128 : memref<10416xf32, #tpu.memory_space<vmem>>) dst(%dma_wait3A_126 : memref<10416xf32, #tpu.memory_space<hbm>>)
    %eq3A = arith.constant 31 : i32
    %eq3A_129 = arith.cmpi eq, %add3A, %eq3A : i32
    %convert_element_type3A = arith.extui %eq3A_129 : i1 to i32
    %cond3A = arith.constant 0 : i32
    %cond3A_130 = arith.cmpi ne, %convert_element_type3A, %cond3A : i32
    scf.if %cond3A_130 {
      "tpu.region"() ({
        %run_scoped3A = tpu.sem_alloc : memref<!tpu.dma_semaphore, #tpu.memory_space<semaphore_mem>>
        %dma_start3A_134 = arith.constant 0 : i32
        %dma_start3A_135 = tpu.memref_slice %arg7[%dma_start3A_134] : memref<10416xi32, #tpu.memory_space<vmem>> -> memref<64xi32, #tpu.memory_space<vmem>>
        %dma_start3A_136 = arith.constant 999936 : i32
        %dma_start3A_137 = tpu.memref_slice %arg2[%dma_start3A_136] : memref<1000000xi32, #tpu.memory_space<hbm>> -> memref<64xi32, #tpu.memory_space<hbm>>
        %dma_start3A_138 = arith.constant 0 : i32
        %dma_start3A_139 = tpu.memref_slice %arg7[%dma_start3A_138] : memref<10416xi32, #tpu.memory_space<vmem>> -> memref<64xi32, #tpu.memory_space<vmem>>
        %dma_start3A_140 = arith.constant 999936 : i32
        %dma_start3A_141 = tpu.memref_slice %arg2[%dma_start3A_140] : memref<1000000xi32, #tpu.memory_space<hbm>> -> memref<64xi32, #tpu.memory_space<hbm>>
        tpu.enqueue_dma source(%dma_start3A_141 : memref<64xi32, #tpu.memory_space<hbm>>) target(%dma_start3A_139 : memref<64xi32, #tpu.memory_space<vmem>>) target_semaphore(%run_scoped3A : memref<!tpu.dma_semaphore, #tpu.memory_space<semaphore_mem>>)
        %dma_wait3A_142 = arith.constant 0 : i32
        %dma_wait3A_143 = tpu.memref_slice %arg7[%dma_wait3A_142] : memref<10416xi32, #tpu.memory_space<vmem>> -> memref<64xi32, #tpu.memory_space<vmem>>
        %dma_wait3A_144 = arith.constant 999936 : i32
        %dma_wait3A_145 = tpu.memref_slice %arg2[%dma_wait3A_144] : memref<1000000xi32, #tpu.memory_space<hbm>> -> memref<64xi32, #tpu.memory_space<hbm>>
        %dma_wait3A_146 = arith.constant 0 : i32
        %dma_wait3A_147 = tpu.memref_slice %arg7[%dma_wait3A_146] : memref<10416xi32, #tpu.memory_space<vmem>> -> memref<64xi32, #tpu.memory_space<vmem>>
        %dma_wait3A_148 = arith.constant 999936 : i32
        %dma_wait3A_149 = tpu.memref_slice %arg2[%dma_wait3A_148] : memref<1000000xi32, #tpu.memory_space<hbm>> -> memref<64xi32, #tpu.memory_space<hbm>>
        tpu.wait_dma2 semaphore(%run_scoped3A : memref<!tpu.dma_semaphore, #tpu.memory_space<semaphore_mem>>) src(%dma_wait3A_149 : memref<64xi32, #tpu.memory_space<hbm>>) dst(%dma_wait3A_147 : memref<64xi32, #tpu.memory_space<vmem>>)
        tpu.yield
      }) : () -> ()
      "tpu.region"() ({
        %run_scoped3A = tpu.sem_alloc : memref<!tpu.dma_semaphore, #tpu.memory_space<semaphore_mem>>
        %dma_start3A_134 = arith.constant 0 : i32
        %dma_start3A_135 = tpu.memref_slice %arg9[%dma_start3A_134] : memref<10416xf32, #tpu.memory_space<vmem>> -> memref<64xf32, #tpu.memory_space<vmem>>
        %dma_start3A_136 = arith.constant 999936 : i32
        %dma_start3A_137 = tpu.memref_slice %arg3[%dma_start3A_136] : memref<1000000xf32, #tpu.memory_space<hbm>> -> memref<64xf32, #tpu.memory_space<hbm>>
        %dma_start3A_138 = arith.constant 0 : i32
        %dma_start3A_139 = tpu.memref_slice %arg9[%dma_start3A_138] : memref<10416xf32, #tpu.memory_space<vmem>> -> memref<64xf32, #tpu.memory_space<vmem>>
        %dma_start3A_140 = arith.constant 999936 : i32
        %dma_start3A_141 = tpu.memref_slice %arg3[%dma_start3A_140] : memref<1000000xf32, #tpu.memory_space<hbm>> -> memref<64xf32, #tpu.memory_space<hbm>>
        tpu.enqueue_dma source(%dma_start3A_141 : memref<64xf32, #tpu.memory_space<hbm>>) target(%dma_start3A_139 : memref<64xf32, #tpu.memory_space<vmem>>) target_semaphore(%run_scoped3A : memref<!tpu.dma_semaphore, #tpu.memory_space<semaphore_mem>>)
        %dma_wait3A_142 = arith.constant 0 : i32
        %dma_wait3A_143 = tpu.memref_slice %arg9[%dma_wait3A_142] : memref<10416xf32, #tpu.memory_space<vmem>> -> memref<64xf32, #tpu.memory_space<vmem>>
        %dma_wait3A_144 = arith.constant 999936 : i32
        %dma_wait3A_145 = tpu.memref_slice %arg3[%dma_wait3A_144] : memref<1000000xf32, #tpu.memory_space<hbm>> -> memref<64xf32, #tpu.memory_space<hbm>>
        %dma_wait3A_146 = arith.constant 0 : i32
        %dma_wait3A_147 = tpu.memref_slice %arg9[%dma_wait3A_146] : memref<10416xf32, #tpu.memory_space<vmem>> -> memref<64xf32, #tpu.memory_space<vmem>>
        %dma_wait3A_148 = arith.constant 999936 : i32
        %dma_wait3A_149 = tpu.memref_slice %arg3[%dma_wait3A_148] : memref<1000000xf32, #tpu.memory_space<hbm>> -> memref<64xf32, #tpu.memory_space<hbm>>
        tpu.wait_dma2 semaphore(%run_scoped3A : memref<!tpu.dma_semaphore, #tpu.memory_space<semaphore_mem>>) src(%dma_wait3A_149 : memref<64xf32, #tpu.memory_space<hbm>>) dst(%dma_wait3A_147 : memref<64xf32, #tpu.memory_space<vmem>>)
        tpu.yield
      }) : () -> ()
      %parallel_loop3A_131 = arith.constant 0 : i32
      %parallel_loop3A_132 = arith.constant 64 : i32
      %parallel_loop3A_133 = arith.constant 16 : i32
      scf.for %parallel_loop3A_134 = %parallel_loop3A_131 to %parallel_loop3A_132 step %parallel_loop3A_133  : i32 {
        %parallel_loop3A_135 = arith.index_cast %parallel_loop3A_134 : i32 to index
        %parallel_loop3A_136 = tpu.vector_load %arg7[%parallel_loop3A_135] {strides = array<i32>} : memref<10416xi32, #tpu.memory_space<vmem>>, vector<16xi32>,
        %parallel_loop3A_137 = arith.index_cast %parallel_loop3A_134 : i32 to index
        %parallel_loop3A_138 = tpu.vector_load %arg9[%parallel_loop3A_137] {strides = array<i32>} : memref<10416xf32, #tpu.memory_space<vmem>>, vector<16xf32>,
        %parallel_loop3A_139 = tpu.vector_load_idx %arg14[%parallel_loop3A_136] : memref<109xf32, #tpu.memory_space<vmem>>[vector<16xi32>], vector<16xf32>,
        %parallel_loop3A_140 = tpu.vector_load_idx %arg13[%parallel_loop3A_136] : memref<109xf32, #tpu.memory_space<vmem>>[vector<16xi32>], vector<16xf32>,
        %parallel_loop3A_141 = arith.mulf %parallel_loop3A_138, %parallel_loop3A_139 : vector<16xf32>
        %parallel_loop3A_142 = arith.addf %parallel_loop3A_141, %parallel_loop3A_140 : vector<16xf32>
        %parallel_loop3A_143 = arith.index_cast %parallel_loop3A_134 : i32 to index
        %parallel_loop3A_144 = tpu.vector_load %arg11[%parallel_loop3A_143] {strides = array<i32>} : memref<10416xf32, #tpu.memory_space<vmem>>, vector<16xf32>,
        tpu.vector_store %arg11[%parallel_loop3A_143], %parallel_loop3A_142 {strides = array<i32>} : memref<10416xf32, #tpu.memory_space<vmem>>, vector<16xf32>,
      } {sc.loop_unroll_factor = 1 : i64, sc.parallel_access}
      "tpu.region"() ({
        %run_scoped3A = tpu.sem_alloc : memref<!tpu.dma_semaphore, #tpu.memory_space<semaphore_mem>>
        %dma_start3A_134 = arith.constant 0 : i32
        %dma_start3A_135 = tpu.memref_slice %arg11[%dma_start3A_134] : memref<10416xf32, #tpu.memory_space<vmem>> -> memref<64xf32, #tpu.memory_space<vmem>>
        %dma_start3A_136 = arith.constant 999936 : i32
        %dma_start3A_137 = tpu.memref_slice %arg6[%dma_start3A_136] : memref<1000000xf32, #tpu.memory_space<hbm>> -> memref<64xf32, #tpu.memory_space<hbm>>
        %dma_start3A_138 = arith.constant 999936 : i32
        %dma_start3A_139 = tpu.memref_slice %arg6[%dma_start3A_138] : memref<1000000xf32, #tpu.memory_space<hbm>> -> memref<64xf32, #tpu.memory_space<hbm>>
        %dma_start3A_140 = arith.constant 0 : i32
        %dma_start3A_141 = tpu.memref_slice %arg11[%dma_start3A_140] : memref<10416xf32, #tpu.memory_space<vmem>> -> memref<64xf32, #tpu.memory_space<vmem>>
        tpu.enqueue_dma source(%dma_start3A_141 : memref<64xf32, #tpu.memory_space<vmem>>) target(%dma_start3A_139 : memref<64xf32, #tpu.memory_space<hbm>>) target_semaphore(%run_scoped3A : memref<!tpu.dma_semaphore, #tpu.memory_space<semaphore_mem>>)
        %dma_wait3A_142 = arith.constant 0 : i32
        %dma_wait3A_143 = tpu.memref_slice %arg11[%dma_wait3A_142] : memref<10416xf32, #tpu.memory_space<vmem>> -> memref<64xf32, #tpu.memory_space<vmem>>
        %dma_wait3A_144 = arith.constant 999936 : i32
        %dma_wait3A_145 = tpu.memref_slice %arg6[%dma_wait3A_144] : memref<1000000xf32, #tpu.memory_space<hbm>> -> memref<64xf32, #tpu.memory_space<hbm>>
        %dma_wait3A_146 = arith.constant 999936 : i32
        %dma_wait3A_147 = tpu.memref_slice %arg6[%dma_wait3A_146] : memref<1000000xf32, #tpu.memory_space<hbm>> -> memref<64xf32, #tpu.memory_space<hbm>>
        %dma_wait3A_148 = arith.constant 0 : i32
        %dma_wait3A_149 = tpu.memref_slice %arg11[%dma_wait3A_148] : memref<10416xf32, #tpu.memory_space<vmem>> -> memref<64xf32, #tpu.memory_space<vmem>>
        tpu.wait_dma2 semaphore(%run_scoped3A : memref<!tpu.dma_semaphore, #tpu.memory_space<semaphore_mem>>) src(%dma_wait3A_149 : memref<64xf32, #tpu.memory_space<vmem>>) dst(%dma_wait3A_147 : memref<64xf32, #tpu.memory_space<hbm>>)
        tpu.yield
      }) : () -> ()
    } else {
    }
    return
  }
}

</mosaic_0001>

<sc_bundles>
// kernel: kernel.3.cloned.1.call-start
scs
__scs_entry_jumppad:
0x0: {  	(pc) =	sbr.rel $0x88, $3  }
0x1: {  	(tag) =	ssettag $0x0;
	lr =	simm.s32 $0x1  }
0x2: {  	[smem:$0x3F9D] =	sst lr;
	_ =	strace $0xD0000000  }
0x3: {  	_ = 	snop  }
0x4: {  	_ = 	snop  }
0x5: {  	_ = 	snop  }
0x6: {  	_ = 	snop  }
0x7: {  	_ = 	snop  }
__scs_overlays_trampoline_lowered:
0x8: {  	[smem:$0x3FAC] =	sst s0  }
0x9: {  	[smem:$0x3FAD] =	sst s1  }
0xa: {  	[smem:$0x3FAE] =	sst s2  }
0xb: {  	[smem:$0x3FAF] =	sst s3  }
0xc: {  	[smem:$0x3FB0] =	sst s4  }
0xd: {  	[smem:$0x3FB1] =	sst s5  }
0xe: {  	[smem:$0x3FB2] =	sst s6  }
0xf: {  	[smem:$0x3FB3] =	sst s7  }
0x10: {  	[smem:$0x3FB4] =	sst s8  }
0x11: {  	[smem:$0x3FB5] =	sst s9;
	s0 =	simm.s32 @!p0 $0x0  }
0x12: {  	s1 =	sld [smem:$0x3F9B];
	s0 =	simm.s32 @p0 $0x1  }
0x13: {  	[smem:$0x3FB6] =	sst s0;
	s0 =	simm.s32 @!p1 $0x0  }
0x14: {  	s2 =	sld [smem:$0x3F9A];
	s0 =	simm.s32 @p1 $0x1  }
0x15: {  	[smem:$0x3FB7] =	sst s0;
	s0 =	simm.s32 @!p2 $0x0  }
0x16: {  	s3 =	sld [smem:$0x3FDB];
	s0 =	simm.s32 @p2 $0x1  }
0x17: {  	s4 =	simm.s32 $0x1BF5;
	[smem:$0x3FB9] =	sst s0  }
0x18: {  	s0 =	sld [smem:$0x3F9C];
	_ =	swait.ge [sflag:s4], $0x0  }
0x19: {  	s7 =	sld [smem:$0x3F9D]  }
0x1a: {  	s8 =	sadd.s32 $0xFFFFE003, lr  }
0x1b: {  	s9 =	sadd.s32 $0xFFFFFEF7, lr;
	s5 =	simm.s32 $0xFFFFFFFF;
	p2 =	slt.u32 s8, $0xFFFFF086  }
0x1c: {  	p1 =	slt.u32 s9, $0xF7A;
	s5 =	simm.s32 @!p2 $0x0  }
0x1d: {  	s5 =	simm.s32 @p1 $0x1;
	p0 =	seq.s32 s7, s2  }
0x1e: {  	s7 =	smul.u32 @!p0 $0xF7A, s2;
	p2 =	seq.s32 @!p0 s5, $0x0  }
0x1f: {  	s9 =	smul.u32 $0xF7A, s1;
	s8 =	simm.s32 @!p0 $0x1BF5;
	p2 =	por !p2, p0  }
0x20: {  	[sflag:s8] =	ssyncset.s32 @!p0 $0xFFFFF086;
	s6 =	sadd.s32 @!p0 s3, s7;
	s7 =	simm.s32 @!p0 $0x108  }
0x21: {  	s3 =	sadd.s32 s3, s9;
	s6 =	sadd.s32 @!p0 $0x88, s6;
	s7 =	simm.s32 @p2 $0x1082  }
0x22: {  	[simem:s7], [sflag:s8] =	dma.local @!p0 [hbm:s6], $0xF7A  }
0x23: {  	s9 =	sor.u32 $0xD0000000, s2;
	s6 =	simm.s32 $0x108;
	_ =	swait.ge @!p0 [sflag:s8], $0x0  }
0x24: {  	s3 =	sadd.s32 $0x88, s3;
	s6 =	simm.s32 @!p1 $0x1082;
	[sflag:s4] =	ssyncset.s32 $0xFFFFF086  }
0x25: {  	[simem:s6], [sflag:s4] =	dma.local [hbm:s3], $0xF7A  }
0x26: {  	[smem:$0x3F9D] =	sst s1;
	(tag) =	ssettag s2;
	_ =	strace s9  }
0x27: {  	s1 =	sld [smem:$0x3FAD]  }
0x28: {  	s2 =	sld [smem:$0x3FAE]  }
0x29: {  	s4 =	sld [smem:$0x3FB0]  }
0x2a: {  	p0 =	seq.s32 s5, $0x0;
	s5 =	sld [smem:$0x3FB1]  }
0x2b: {  	s6 =	sld [smem:$0x3FB2]  }
0x2c: {  	s7 =	sld [smem:$0x3FB3]  }
0x2d: {  	s3 =	simm.s32 $0x108;
	s8 =	sld [smem:$0x3FB4]  }
0x2e: {  	s3 =	simm.s32 @!p0 $0x1082;
	s9 =	sld [smem:$0x3FB5]  }
0x2f: {  	lr =	sadd.s32 s0, s3;
	s0 =	sld [smem:$0x3FAC]  }
0x30: {  	s3 =	sld [smem:$0x3FAF]  }
0x31: {  	[smem:$0x3FB8] =	sst s10  }
0x32: {  	s10 =	sld [smem:$0x3FB6];
	_ =	sdelay $0x3  }
0x33: {  	p0 =	seq.s32 s10, $0x1;
	s10 =	sld [smem:$0x3FB8];
	_ =	sdelay $0x3  }
0x34: {  	[smem:$0x3FB8] =	sst s10  }
0x35: {  	s10 =	sld [smem:$0x3FB7];
	_ =	sdelay $0x3  }
0x36: {  	p1 =	seq.s32 s10, $0x1;
	s10 =	sld [smem:$0x3FB8];
	_ =	sdelay $0x3  }
0x37: {  	[smem:$0x3FB8] =	sst s10  }
0x38: {  	s10 =	sld [smem:$0x3FB9]  }
0x39: {  	_ = 	snop;
	(pc) =	sbr.ind lr, $3  }
0x3a: {  	_ = 	snop  }
0x3b: {  	_ = 	snop  }
0x3c: {  	p2 =	seq.s32 s10, $0x1;
	s10 =	sld [smem:$0x3FB8]  }
0x3d: {  	_ =	shalt  }
0x3e: {  	_ =	shalt  }
0x3f: {  	_ =	shalt  }
0x40: {  	_ =	shalt  }
0x41: {  	_ =	shalt  }
0x42: {  	_ =	shalt  }
0x43: {  	_ =	shalt  }
0x44: {  	_ =	shalt  }
0x45: {  	_ =	shalt  }
0x46: {  	_ =	shalt  }
0x47: {  	_ =	shalt  }
0x48: {  	_ =	shalt  }
0x49: {  	_ =	shalt  }
0x4a: {  	_ =	shalt  }
0x4b: {  	_ =	shalt  }
0x4c: {  	_ =	shalt  }
0x4d: {  	_ =	shalt  }
0x4e: {  	_ =	shalt  }
0x4f: {  	_ =	shalt  }
0x50: {  	_ =	shalt  }
0x51: {  	_ =	shalt  }
0x52: {  	_ =	shalt  }
0x53: {  	_ =	shalt  }
0x54: {  	_ =	shalt  }
0x55: {  	_ =	shalt  }
0x56: {  	_ =	shalt  }
0x57: {  	_ =	shalt  }
0x58: {  	_ =	shalt  }
0x59: {  	_ =	shalt  }
0x5a: {  	_ =	shalt  }
0x5b: {  	_ =	shalt  }
0x5c: {  	_ =	shalt  }
0x5d: {  	_ =	shalt  }
0x5e: {  	_ =	shalt  }
0x5f: {  	_ =	shalt  }
0x60: {  	_ =	shalt  }
0x61: {  	_ =	shalt  }
0x62: {  	_ =	shalt  }
0x63: {  	_ =	shalt  }
0x64: {  	_ =	shalt  }
0x65: {  	_ =	shalt  }
0x66: {  	_ =	shalt  }
0x67: {  	_ =	shalt  }
0x68: {  	_ =	shalt  }
0x69: {  	_ =	shalt  }
0x6a: {  	_ =	shalt  }
0x6b: {  	_ =	shalt  }
0x6c: {  	_ =	shalt  }
0x6d: {  	_ =	shalt  }
0x6e: {  	_ =	shalt  }
0x6f: {  	_ =	shalt  }
0x70: {  	_ =	shalt  }
0x71: {  	_ =	shalt  }
0x72: {  	_ =	shalt  }
0x73: {  	_ =	shalt  }
0x74: {  	_ =	shalt  }
0x75: {  	_ =	shalt  }
0x76: {  	_ =	shalt  }
0x77: {  	_ =	shalt  }
0x78: {  	_ =	shalt  }
0x79: {  	_ =	shalt  }
0x7a: {  	_ =	shalt  }
0x7b: {  	_ =	shalt  }
0x7c: {  	_ =	shalt  }
0x7d: {  	_ =	shalt  }
0x7e: {  	_ =	shalt  }
0x7f: {  	_ =	shalt  }
0x80: {  	_ =	shalt  }
0x81: {  	_ =	shalt  }
0x82: {  	_ =	shalt  }
0x83: {  	_ =	shalt  }
0x84: {  	_ =	shalt  }
0x85: {  	_ =	shalt  }
0x86: {  	_ =	shalt  }
0x87: {  	_ =	shalt  }
.Lfunc_end0:
.L_simem_size_0:
called_computation_lowered:
.L_overlay_start_0:
0x88: {  	s2 =	sld [smem:$0x3FD9]  }
0x89: {  	s3 =	sld [smem:$0x3FFE];
	_ =	sdelay $0x1  }
0x8a: {  	s1 =	srdreg.scid  }
0x8b: {  	s0 =	sand.u32 $0x1, s1  }
0x8c: {  	s18 =	sshll.u32 s0, $0xA;
	s2 =	sadd.s32 s3, s2  }
0x8d: {  	s2 =	sadd.s32 s2, s18  }
0x8e: {  	[smem:$0x3FC4] =	sst s2  }
0x8f: {  	_ = 	snop  }
0x90: {  	s2 =	sld [smem:$0x3FC9]  }
0x91: {  	s19 =	sld [smem:$0x3FC8]  }
0x92: {  	s4 =	sld [smem:$0x3FC7]  }
0x93: {  	s5 =	sld [smem:$0x3FC6]  }
0x94: {  	s6 =	sld [smem:$0x3FD0];
	(tm) =	ssettm $0x1  }
0x95: {  	s7 =	sld [smem:$0x3FFB];
	_ =	sdelay $0x3  }
0x96: {  	_ =	strace s7  }
0x97: {  	s7 =	sld [smem:$0x3FFC];
	_ =	sdelay $0x3  }
0x98: {  	_ =	strace s7  }
0x99: {  	s7 =	sld [smem:$0x3FFD];
	_ =	sdelay $0x3  }
0x9a: {  	_ =	strace s7  }
0x9b: {  	_ =	strace $0x8FFFFFFF  }
0x9c: {  	s20 =	sld [smem:$0x3FDB];
	_ =	sdelay $0x1  }
0x9d: {  	s8 =	simm.s32 $_scs_section_size  }
0x9e: {  	s9 =	simm.s32 $_size__tile_overlayer_lowered;
	s10 =	simm.s32 $_tile_overlayer_lowered  }
0x9f: {  	s23 =	simm.s32 $0x1BFF;
	s22 =	sshll.u32 s10, $0x1;
	s7 =	sadd.s32 s8, s20  }
0xa0: {  	s11 =	simm.s32 $0x0;
	s21 =	sshll.u32 s9, $0x1;
	s9 =	sadd.s32 s22, s7  }
0xa1: {  	[timem:s11], [sflag:s23] =	dma.local [hbm:s9], s21  }
0xa2: {  	_ =	swait.ge [sflag:s23], s21  }
0xa3: {  	s8 =	ssub.s32 $0x0, s21;
	[sflag:s23] =	ssyncset.done $0x0  }
0xa4: {  	[sflag:s23] =	ssyncadd.s32 s8;
	_ =	sdelay $0x1  }
0xa5: {  	s24 =	simm.s32 $0x1B8B  }
0xa6: {  	_ =	swait.ge [sflag:s24], $0x1  }
0xa7: {  	[sflag:s24] =	ssyncset.done $0x0  }
0xa8: {  	s25 =	simm.s32 $0x1B8E;
	[sflag:s24] =	ssyncadd.s32 $0xFFFFFFFF  }
0xa9: {  	s26 =	simm.s32 $execute0_lowered;
	[smem:$0x3FD2] =	sst s25  }
0xaa: {  	s8 =	sshll.u32 s26, $0x1;
	_ =	strace $0x80000046;
	[dreg:$0x1] =	wrdreg $0xFFFFFFFF  }
0xab: {  	s28 =	simm.s32 $_size_execute0_lowered;
	s7 =	sadd.s32 s7, s8;
	[dreg:$0x0] =	wrdreg $0x0  }
0xac: {  	s8 =	sshll.u32 s28, $0x1;
	[dreg:$0x2] =	wrdreg s7  }
0xad: {  	[dreg:$0x3] =	wrdreg s8  }
0xae: {  	[dreg:$0x4] =	wrdreg $0xC0  }
0xaf: {  	_ =	task [dreg:s11], $0x5FFFF  }
0xb0: {  	[dreg:$0x1] =	wrdreg $0xFFFFFFFF  }
0xb1: {  	[dreg:$0x0] =	wrdreg $0x60  }
0xb2: {  	[dreg:$0x2] =	wrdreg s2  }
0xb3: {  	[dreg:$0x3] =	wrdreg s19  }
0xb4: {  	[dreg:$0x4] =	wrdreg s4  }
0xb5: {  	[dreg:$0x5] =	wrdreg s5  }
0xb6: {  	[dreg:$0x6] =	wrdreg s6  }
0xb7: {  	[dreg:$0x7] =	wrdreg $0x9  }
0xb8: {  	_ =	task.clear_ibuf [dreg:s11], $0x8FFFF;
	_ =	strace $0x90000046  }
0xb9: {  	s29 =	simm.s32 $0x9;
	_ =	strace $0x80000048  }
0xba: {  	_ =	swait.ge [sflag:s29], $0x1  }
0xbb: {  	[sflag:s29] =	ssyncadd.s32 $0xFFFFFFFF  }
0xbc: {  	_ =	strace $0x90000048  }
0xbd: {  	_ =	sfence  }
0xbe: {  	s30 =	sld [smem:$0x0];
	_ =	sdelay $0x2  }
0xbf: {  	s31 =	sshll.u32 s1, $0xD;
	s1 =	sshrl.u32 s1, $0x2  }
0xc0: {  	s3 =	sand.u32 $0x4000, s31;
	s1 =	sadd.s32 s1, s30  }
0xc1: {  	s0 =	sor.u32 s3, s0;
	s1 =	sshll.u32 s1, $0x11  }
0xc2: {  	s0 =	sor.u32 s1, s0  }
0xc3: {  	s0 =	sadd.s32 $0x8F2B, s0  }
0xc4: {  	[sflag:s0] =	ssyncadd.remote.s32 $0x1  }
0xc5: {  	_ =	sfence.sel $0xFFFF  }
0xc6: {  	[dreg:$0x0] =	wrdreg $0xFFFFFFFF;
	(pc) =	sbr.abs _section_cstart, $3  }
0xc7: {  	[dreg:$0x1] =	wrdreg $0xFFFFFFFF  }
0xc8: {  	_ =	task.clear_ibuf [dreg:s11], $0x2FFFF;
	_ =	strace $0x9FFFFFFF  }
0xc9: {  	(tm) =	ssettm $0x7FFFFFFF  }
tec
execute0_lowered:
.L_overlay_start_1:
0x0: {  	(tag) =	ssettag $0x1  }
0x1: {  	s0 =	rddreg [dreg:$0x0]  }
0x2: {  	s1 =	rddreg [dreg:$0x1];
	s2 =	srdreg.scid  }
0x3: {  	s3 =	stileid.u32;
	s16 =	rddreg [dreg:$0x4];
	s4 =	simm.s32 $0x0  }
0x4: {  	s18 =	simm.s32 $0x5200;
	s19 =	simm.s32 $0xF600;
	s20 =	simm.s32 $0xF680  }
0x5: {  	s21 =	simm.s32 $0x3;
	s22 =	simm.s32 $0x4;
	s24 =	simm.s32 $0x7B00  }
0x6: {  	s25 =	simm.s32 $0x1;
	s26 =	simm.s32 $0xA400;
	s28 =	simm.s32 $0x2  }
0x7: {  	s29 =	simm.s32 $0xCD00;
	s30 =	simm.s32 $0x5;
	s31 =	simm.s32 $0x0  }
0x8: {  	s2 =	sand.u32 $0x1, s2;
	s3 =	sshll.u32 s3, $0x1;
	[smem:$0x7FF] =	sst s4  }
0x9: {  	s14 =	sadd.s32 $0x1E840, s0;
	s3 =	sor.u32 s2, s3;
	s2 =	ssub.s32 $0x2, s2  }
0xa: {  	s15 =	sadd.s32 $0x1E840, s1;
	s5 =	smul.u32 $0x7A10, s3;
	s6 =	sshrl.u32 s2, $0x1  }
0xb: {  	_ =	strace $0x80000047;
	p0 =	sne.s32 s3, $0x1F;
	s2 =	ssub.s32 s2, s6  }
.Ltmp0:
0xc: {  	s9 =	sshrl.u32 s5, $0x3;
	s17 =	smax.u32 s2, $0x1;
	(pc) =	sbr.rel .LBB2_1-.Ltmp0, $4  }
0xd: {  	s5 =	sadd.s32 s0, s9;
	s12 =	sadd.s32 $0x516, s9;
	s6 =	sadd.s32 s1, s9  }
0xe: {  	s13 =	sadd.s32 $0xA2C, s9;
	s9 =	sadd.s32 s16, s9;
	s7 =	sadd.s32 s0, s12  }
0xf: {  	s8 =	sadd.s32 s1, s12;
	s10 =	sadd.s32 s0, s13;
	s11 =	sadd.s32 s1, s13  }
0x10: {  	s12 =	sadd.s32 s16, s12;
	s13 =	sadd.s32 s16, s13;
	s16 =	sadd.s32 $0x1E840, s16  }
.LBB2_16:
0x11: {  	_ =	sdelay $0x3  }
0x12: {  	v0 =	vld.idx.msk [tilespmem:v0+s19+$0x0], $0xffff;
	_ =	sdelay $0x2  }
0x13: {  	v1 =	vmul.f32 v2, v1;
	_ =	sdelay $0x1  }
0x14: {  	v0 =	vadd.f32 v0, v1  }
0x15: {  	[tilespmem:s0+$0x0] =	vst v3;
	s23 =	sadd.s32 $0x10, s0  }
0x16: {  	[tilespmem:s23+$0x0] =	vst v0  }
0x17: {  	[hbm4b:s16+s4] =	stream.linear.scatter [tilespmem:s26], [sflag:$0x5], $0x40, $0x38;
	[tilespmem:$0xF700] =	vst v63  }
0x18: {  	_ =	swait.ge [sflag:s30], $0x40  }
0x19: {  	[sflag:s30] =	ssyncset.done $0x0  }
0x1a: {  	[sflag:s30] =	ssyncadd.s32 $0xFFFFFFC0  }
.LBB2_17:
0x1b: {  	s31 =	sadd.s32 $0x1, s31  }
0x1c: {  	p1 =	sne.s32 s31, s17  }
.Ltmp1:
0x1d: {  	_ = 	snop;
	(pc) =	sbr.rel @!p1 .LBB2_18-.Ltmp1, $1  }
0x1e: {  	_ =	sdelay $0x3  }
.LBB2_1:
0x1f: {  	[tilespmem:s4], [sflag:$0x1] =	stream.linear.gather [hbm4b:s5+s4], $0x28B0, $0x38;
	[tilespmem:$0xF700] =	vst v63  }
0x20: {  	_ = 	snop  }
0x21: {  	[tilespmem:s18], [sflag:$0x1] =	stream.linear.gather [hbm4b:s6+s4], $0x28B0, $0x38;
	[tilespmem:$0xF700] =	vst v63  }
0x22: {  	s0 =	rddreg [dreg:$0x2]  }
0x23: {  	[tilespmem:s19], [sflag:$0x3] =	stream.linear.gather [hbm4b:s0+s4], $0x80, $0x38;
	[tilespmem:$0xF700] =	vst v63  }
0x24: {  	s1 =	rddreg [dreg:$0x3]  }
0x25: {  	[tilespmem:s20], [sflag:$0x4] =	stream.linear.gather [hbm4b:s1+s4], $0x80, $0x38;
	[tilespmem:$0xF700] =	vst v63  }
0x26: {  	_ =	swait.ge [sflag:s21], $0x80  }
0x27: {  	[sflag:s21] =	ssyncset.done $0x0  }
0x28: {  	[sflag:s21] =	ssyncadd.s32 $0xFFFFFF80  }
0x29: {  	_ =	swait.ge [sflag:s22], $0x80  }
0x2a: {  	[sflag:s22] =	ssyncset.done $0x0  }
0x2b: {  	s2 =	simm.s32 $0x2900;
	[sflag:s22] =	ssyncadd.s32 $0xFFFFFF80  }
0x2c: {  	[tilespmem:s2], [sflag:$0x2] =	stream.linear.gather [hbm4b:s7+s4], $0x28B0, $0x38;
	[tilespmem:$0xF700] =	vst v63  }
0x2d: {  	_ = 	snop  }
0x2e: {  	[tilespmem:s24], [sflag:$0x2] =	stream.linear.gather [hbm4b:s8+s4], $0x28B0, $0x38;
	[tilespmem:$0xF700] =	vst v63  }
0x2f: {  	_ =	swait.ge [sflag:s25], $0x28B0  }
0x30: {  	[sflag:s25] =	ssyncset.done $0x0  }
0x31: {  	[sflag:s25] =	ssyncadd.s32 $0xFFFFD750  }
0x32: {  	_ =	swait.ge [sflag:s25], $0x28B0  }
0x33: {  	[sflag:s25] =	ssyncset.done $0x0  }
0x34: {  	s3 =	simm.s32 $0x20;
	[sflag:s25] =	ssyncadd.s32 $0xFFFFD750  }
0x35: {  	v0 =	vld [tilespmem:s3+$0x10]  }
0x36: {  	v3 =	vld [tilespmem:s3+$0xFFFFFFE0]  }
0x37: {  	v4 =	vld [tilespmem:s3+$0xFFFFFFF0]  }
0x38: {  	s23 =	simm.s32 $0x5220;
	v5 =	vld [tilespmem:s3+$0x0]  }
0x39: {  	v7 =	vld [tilespmem:s23+$0x10]  }
0x3a: {  	v12 =	vld [tilespmem:s23+$0xFFFFFFE0]  }
0x3b: {  	s1 =	simm.s32 $0x60;
	v13 =	vld [tilespmem:s23+$0xFFFFFFF0]  }
0x3c: {  	v14 =	vld [tilespmem:s1+$0x10]  }
0x3d: {  	v1 =	vld [tilespmem:s1+$0x0]  }
0x3e: {  	v2 =	vld [tilespmem:s1+$0xFFFFFFE0]  }
0x3f: {  	v15 =	vld [tilespmem:s23+$0x0]  }
0x40: {  	v6 =	vld.idx.msk [tilespmem:v0+s20+$0x0], $0xffff  }
0x41: {  	v8 =	vld.idx.msk [tilespmem:v0+s19+$0x0], $0xffff  }
0x42: {  	v9 =	vld.idx.msk [tilespmem:v3+s20+$0x0], $0xffff  }
0x43: {  	v10 =	vld.idx.msk [tilespmem:v4+s20+$0x0], $0xffff  }
0x44: {  	v11 =	vld.idx.msk [tilespmem:v5+s20+$0x0], $0xffff  }
0x45: {  	v0 =	vld [tilespmem:s1+$0xFFFFFFF0]  }
0x46: {  	v3 =	vld.idx.msk [tilespmem:v3+s19+$0x0], $0xffff  }
0x47: {  	v16 =	vld.idx.msk [tilespmem:v4+s19+$0x0], $0xffff  }
0x48: {  	v17 =	vld.idx.msk [tilespmem:v5+s19+$0x0], $0xffff  }
0x49: {  	s0 =	simm.s32 $0x5260;
	v18 =	vld.idx.msk [tilespmem:v14+s20+$0x0], $0xffff;
	v4 =	vmul.f32 v6, v7  }
0x4a: {  	v5 =	vmul.f32 v9, v12;
	v9 =	vld [tilespmem:s0+$0x10]  }
0x4b: {  	v6 =	vld.idx.msk [tilespmem:v14+s19+$0x0], $0xffff;
	v7 =	vadd.f32 v8, v4;
	v8 =	vmul.f32 v10, v13  }
0x4c: {  	s2 =	simm.s32 $0xA420;
	v10 =	vmul.f32 v11, v15;
	v11 =	vadd.f32 v3, v5;
	v4 =	vld.idx.msk [tilespmem:v2+s20+$0x0], $0xffff  }
0x4d: {  	v3 =	vld.idx.msk [tilespmem:v1+s20+$0x0], $0xffff;
	[tilespmem:s2+$0x10] =	vst v7;
	v8 =	vadd.f32 v16, v8  }
0x4e: {  	v5 =	vld.idx.msk [tilespmem:v0+s20+$0x0], $0xffff;
	[tilespmem:s2+$0xFFFFFFE0] =	vst v11;
	v10 =	vadd.f32 v17, v10  }
0x4f: {  	v7 =	vld [tilespmem:s0+$0xFFFFFFE0];
	v9 =	vmul.f32 v18, v9;
	[tilespmem:s2+$0xFFFFFFF0] =	vst v8  }
0x50: {  	s3 =	simm.s32 $0xA0;
	s1 =	simm.s32 $0x40;
	v8 =	vld [tilespmem:s0+$0xFFFFFFF0];
	[tilespmem:s2+$0x0] =	vst v10  }
.LBB2_2:
0x51: {  	v10 =	vld [tilespmem:s3+$0x10];
	s1 =	sadd.s32 $0x40, s1;
	v6 =	vadd.f32 v6, v9  }
0x52: {  	s2 =	sadd.s32 $0x40, s2;
	v9 =	vld [tilespmem:s3+$0xFFFFFFF0];
	p1 =	slt.u32 s1, $0x2840  }
0x53: {  	v11 =	vld [tilespmem:s3+$0x0];
	[tilespmem:s2+$0x10] =	vst v6  }
0x54: {  	v12 =	vld [tilespmem:s3+$0xFFFFFFE0];
	v7 =	vmul.f32 v4, v7  }
0x55: {  	v8 =	vmul.f32 v5, v8;
	v4 =	vld [tilespmem:s0+$0x0]  }
0x56: {  	v5 =	vld.idx.msk [tilespmem:v2+s19+$0x0], $0xffff  }
0x57: {  	v13 =	vld.idx.msk [tilespmem:v0+s19+$0x0], $0xffff;
	v0 =	vmov v9  }
0x58: {  	v9 =	vld.idx.msk [tilespmem:v1+s19+$0x0], $0xffff;
	v1 =	vmov v11  }
0x59: {  	s0 =	sadd.s32 $0x40, s0;
	v11 =	vld.idx.msk [tilespmem:v10+s20+$0x0], $0xffff;
	v2 =	vmov v12  }
0x5a: {  	v14 =	vld [tilespmem:s0+$0x10];
	v15 =	vmul.f32 v3, v4  }
0x5b: {  	v6 =	vld.idx.msk [tilespmem:v10+s19+$0x0], $0xffff  }
.Ltmp2:
0x5c: {  	v7 =	vadd.f32 v5, v7;
	v4 =	vld.idx.msk [tilespmem:v12+s20+$0x0], $0xffff;
	(pc) =	sbr.rel @p1 .LBB2_2-.Ltmp2, $4  }
0x5d: {  	v8 =	vadd.f32 v13, v8;
	v5 =	vld.idx.msk [tilespmem:v0+s20+$0x0], $0xffff  }
0x5e: {  	v10 =	vadd.f32 v9, v15;
	v3 =	vld.idx.msk [tilespmem:v1+s20+$0x0], $0xffff;
	[tilespmem:s2+$0xFFFFFFE0] =	vst v7  }
0x5f: {  	v7 =	vld [tilespmem:s0+$0xFFFFFFE0];
	v9 =	vmul.f32 v11, v14;
	[tilespmem:s2+$0xFFFFFFF0] =	vst v8  }
0x60: {  	s3 =	sadd.s32 $0x40, s3;
	v8 =	vld [tilespmem:s0+$0xFFFFFFF0];
	[tilespmem:s2+$0x0] =	vst v10  }
0x61: {  	_ =	sdelay $0x2  }
0x62: {  	v10 =	vld [tilespmem:s0+$0x0]  }
0x63: {  	v2 =	vld.idx.msk [tilespmem:v2+s19+$0x0], $0xffff  }
0x64: {  	v0 =	vld.idx.msk [tilespmem:v0+s19+$0x0], $0xffff  }
0x65: {  	v1 =	vld.idx.msk [tilespmem:v1+s19+$0x0], $0xffff  }
0x66: {  	v4 =	vmul.f32 v4, v7  }
0x67: {  	v6 =	vadd.f32 v6, v9;
	v5 =	vmul.f32 v5, v8  }
0x68: {  	s23 =	sadd.s32 $0x40, s2;
	v3 =	vmul.f32 v3, v10;
	v2 =	vadd.f32 v2, v4  }
0x69: {  	[tilespmem:s23+$0x10] =	vst v6;
	v0 =	vadd.f32 v0, v5  }
0x6a: {  	[tilespmem:s23+$0xFFFFFFE0] =	vst v2;
	v1 =	vadd.f32 v1, v3  }
0x6b: {  	s0 =	simm.s32 $0x2880;
	[tilespmem:s23+$0xFFFFFFF0] =	vst v0  }
0x6c: {  	s1 =	simm.s32 $0x2870;
	s2 =	simm.s32 $0xCC80;
	s3 =	simm.s32 $0x7A80;
	[tilespmem:s23+$0x0] =	vst v1  }
.LBB2_4:
0x6d: {  	v0 =	vld [tilespmem:s0+$0x0];
	_ =	sdelay $0x6  }
0x6e: {  	v1 =	vld [tilespmem:s3+$0x0]  }
0x6f: {  	v2 =	vld.idx.msk [tilespmem:v0+s20+$0x0], $0xffff;
	_ =	sdelay $0x1  }
0x70: {  	v0 =	vld.idx.msk [tilespmem:v0+s19+$0x0], $0xffff  }
0x71: {  	s1 =	sadd.s32 $0x10, s1  }
0x72: {  	p1 =	slt.u32 s1, $0x28A0  }
.Ltmp3:
0x73: {  	v1 =	vmul.f32 v2, v1;
	(pc) =	sbr.rel @p1 .LBB2_4-.Ltmp3, $3  }
0x74: {  	_ = 	snop  }
0x75: {  	v0 =	vadd.f32 v0, v1;
	_ =	sdelay $0x1  }
0x76: {  	s3 =	sadd.s32 $0x10, s3;
	s0 =	sadd.s32 $0x10, s0;
	[tilespmem:s2+$0x0] =	vst v0;
	s2 =	sadd.s32 $0x10, s2  }
0x77: {  	[hbm4b:s9+s4] =	stream.linear.scatter [tilespmem:s26], [sflag:$0x3], $0x28B0, $0x38;
	[tilespmem:$0xF700] =	vst v63  }
0x78: {  	_ = 	snop  }
0x79: {  	[tilespmem:s4], [sflag:$0x1] =	stream.linear.gather [hbm4b:s10+s4], $0x28B0, $0x38;
	[tilespmem:$0xF700] =	vst v63  }
0x7a: {  	_ = 	snop  }
0x7b: {  	[tilespmem:s18], [sflag:$0x1] =	stream.linear.gather [hbm4b:s11+s4], $0x28B0, $0x38;
	[tilespmem:$0xF700] =	vst v63  }
0x7c: {  	_ =	swait.ge [sflag:s28], $0x28B0  }
0x7d: {  	[sflag:s28] =	ssyncset.done $0x0  }
0x7e: {  	[sflag:s28] =	ssyncadd.s32 $0xFFFFD750  }
0x7f: {  	_ =	swait.ge [sflag:s28], $0x28B0  }
0x80: {  	[sflag:s28] =	ssyncset.done $0x0  }
0x81: {  	s0 =	simm.s32 $0x2920;
	[sflag:s28] =	ssyncadd.s32 $0xFFFFD750  }
0x82: {  	v0 =	vld [tilespmem:s0+$0x10]  }
0x83: {  	v3 =	vld [tilespmem:s0+$0xFFFFFFE0]  }
0x84: {  	v4 =	vld [tilespmem:s0+$0xFFFFFFF0]  }
0x85: {  	s23 =	simm.s32 $0x7B20;
	v5 =	vld [tilespmem:s0+$0x0]  }
0x86: {  	v7 =	vld [tilespmem:s23+$0x10]  }
0x87: {  	v12 =	vld [tilespmem:s23+$0xFFFFFFE0]  }
0x88: {  	s1 =	simm.s32 $0x2960;
	v13 =	vld [tilespmem:s23+$0xFFFFFFF0]  }
0x89: {  	v14 =	vld [tilespmem:s1+$0x10]  }
0x8a: {  	v1 =	vld [tilespmem:s1+$0x0]  }
0x8b: {  	v2 =	vld [tilespmem:s1+$0xFFFFFFE0]  }
0x8c: {  	v15 =	vld [tilespmem:s23+$0x0]  }
0x8d: {  	v6 =	vld.idx.msk [tilespmem:v0+s20+$0x0], $0xffff  }
0x8e: {  	v8 =	vld.idx.msk [tilespmem:v0+s19+$0x0], $0xffff  }
0x8f: {  	v9 =	vld.idx.msk [tilespmem:v3+s20+$0x0], $0xffff  }
0x90: {  	v10 =	vld.idx.msk [tilespmem:v4+s20+$0x0], $0xffff  }
0x91: {  	v11 =	vld.idx.msk [tilespmem:v5+s20+$0x0], $0xffff  }
0x92: {  	v0 =	vld [tilespmem:s1+$0xFFFFFFF0]  }
0x93: {  	v3 =	vld.idx.msk [tilespmem:v3+s19+$0x0], $0xffff  }
0x94: {  	v16 =	vld.idx.msk [tilespmem:v4+s19+$0x0], $0xffff  }
0x95: {  	v17 =	vld.idx.msk [tilespmem:v5+s19+$0x0], $0xffff  }
0x96: {  	s2 =	simm.s32 $0x7B60;
	v18 =	vld.idx.msk [tilespmem:v14+s20+$0x0], $0xffff;
	v4 =	vmul.f32 v6, v7  }
0x97: {  	v5 =	vmul.f32 v9, v12;
	v9 =	vld [tilespmem:s2+$0x10]  }
0x98: {  	v6 =	vld.idx.msk [tilespmem:v14+s19+$0x0], $0xffff;
	v7 =	vadd.f32 v8, v4;
	v8 =	vmul.f32 v10, v13  }
0x99: {  	s0 =	simm.s32 $0xCD20;
	v10 =	vmul.f32 v11, v15;
	v11 =	vadd.f32 v3, v5;
	v4 =	vld.idx.msk [tilespmem:v2+s20+$0x0], $0xffff  }
0x9a: {  	v3 =	vld.idx.msk [tilespmem:v1+s20+$0x0], $0xffff;
	[tilespmem:s0+$0x10] =	vst v7;
	v8 =	vadd.f32 v16, v8  }
0x9b: {  	v5 =	vld.idx.msk [tilespmem:v0+s20+$0x0], $0xffff;
	[tilespmem:s0+$0xFFFFFFE0] =	vst v11;
	v10 =	vadd.f32 v17, v10  }
0x9c: {  	v7 =	vld [tilespmem:s2+$0xFFFFFFE0];
	v9 =	vmul.f32 v18, v9;
	[tilespmem:s0+$0xFFFFFFF0] =	vst v8  }
0x9d: {  	s3 =	simm.s32 $0x29A0;
	s1 =	simm.s32 $0x40;
	v8 =	vld [tilespmem:s2+$0xFFFFFFF0];
	[tilespmem:s0+$0x0] =	vst v10  }
.LBB2_6:
0x9e: {  	v10 =	vld [tilespmem:s3+$0x10];
	s1 =	sadd.s32 $0x40, s1;
	v6 =	vadd.f32 v6, v9  }
0x9f: {  	s0 =	sadd.s32 $0x40, s0;
	v9 =	vld [tilespmem:s3+$0xFFFFFFF0];
	p1 =	slt.u32 s1, $0x2840  }
0xa0: {  	v11 =	vld [tilespmem:s3+$0x0];
	[tilespmem:s0+$0x10] =	vst v6  }
0xa1: {  	v12 =	vld [tilespmem:s3+$0xFFFFFFE0];
	v7 =	vmul.f32 v4, v7  }
0xa2: {  	v8 =	vmul.f32 v5, v8;
	v4 =	vld [tilespmem:s2+$0x0]  }
0xa3: {  	v5 =	vld.idx.msk [tilespmem:v2+s19+$0x0], $0xffff  }
0xa4: {  	v13 =	vld.idx.msk [tilespmem:v0+s19+$0x0], $0xffff;
	v0 =	vmov v9  }
0xa5: {  	v9 =	vld.idx.msk [tilespmem:v1+s19+$0x0], $0xffff;
	v1 =	vmov v11  }
0xa6: {  	s2 =	sadd.s32 $0x40, s2;
	v11 =	vld.idx.msk [tilespmem:v10+s20+$0x0], $0xffff;
	v2 =	vmov v12  }
0xa7: {  	v14 =	vld [tilespmem:s2+$0x10];
	v15 =	vmul.f32 v3, v4  }
0xa8: {  	v6 =	vld.idx.msk [tilespmem:v10+s19+$0x0], $0xffff  }
.Ltmp4:
0xa9: {  	v7 =	vadd.f32 v5, v7;
	v4 =	vld.idx.msk [tilespmem:v12+s20+$0x0], $0xffff;
	(pc) =	sbr.rel @p1 .LBB2_6-.Ltmp4, $4  }
0xaa: {  	v8 =	vadd.f32 v13, v8;
	v5 =	vld.idx.msk [tilespmem:v0+s20+$0x0], $0xffff  }
0xab: {  	v10 =	vadd.f32 v9, v15;
	v3 =	vld.idx.msk [tilespmem:v1+s20+$0x0], $0xffff;
	[tilespmem:s0+$0xFFFFFFE0] =	vst v7  }
0xac: {  	v7 =	vld [tilespmem:s2+$0xFFFFFFE0];
	v9 =	vmul.f32 v11, v14;
	[tilespmem:s0+$0xFFFFFFF0] =	vst v8  }
0xad: {  	s3 =	sadd.s32 $0x40, s3;
	v8 =	vld [tilespmem:s2+$0xFFFFFFF0];
	[tilespmem:s0+$0x0] =	vst v10  }
0xae: {  	_ =	sdelay $0x2  }
0xaf: {  	v10 =	vld [tilespmem:s2+$0x0]  }
0xb0: {  	v2 =	vld.idx.msk [tilespmem:v2+s19+$0x0], $0xffff  }
0xb1: {  	v0 =	vld.idx.msk [tilespmem:v0+s19+$0x0], $0xffff  }
0xb2: {  	v1 =	vld.idx.msk [tilespmem:v1+s19+$0x0], $0xffff  }
0xb3: {  	v4 =	vmul.f32 v4, v7  }
0xb4: {  	v6 =	vadd.f32 v6, v9;
	v5 =	vmul.f32 v5, v8  }
0xb5: {  	s23 =	sadd.s32 $0x40, s0;
	v3 =	vmul.f32 v3, v10;
	v2 =	vadd.f32 v2, v4  }
0xb6: {  	[tilespmem:s23+$0x10] =	vst v6;
	v0 =	vadd.f32 v0, v5  }
0xb7: {  	[tilespmem:s23+$0xFFFFFFE0] =	vst v2;
	v1 =	vadd.f32 v1, v3  }
0xb8: {  	s0 =	simm.s32 $0x5180;
	[tilespmem:s23+$0xFFFFFFF0] =	vst v0  }
0xb9: {  	s1 =	simm.s32 $0x2870;
	s2 =	simm.s32 $0xF580;
	s3 =	simm.s32 $0xA380;
	[tilespmem:s23+$0x0] =	vst v1  }
.LBB2_8:
0xba: {  	v0 =	vld [tilespmem:s0+$0x0];
	_ =	sdelay $0x6  }
0xbb: {  	v1 =	vld [tilespmem:s3+$0x0]  }
0xbc: {  	v2 =	vld.idx.msk [tilespmem:v0+s20+$0x0], $0xffff;
	_ =	sdelay $0x1  }
0xbd: {  	v0 =	vld.idx.msk [tilespmem:v0+s19+$0x0], $0xffff  }
0xbe: {  	s1 =	sadd.s32 $0x10, s1  }
0xbf: {  	p1 =	slt.u32 s1, $0x28A0  }
.Ltmp5:
0xc0: {  	v1 =	vmul.f32 v2, v1;
	(pc) =	sbr.rel @p1 .LBB2_8-.Ltmp5, $3  }
0xc1: {  	_ = 	snop  }
0xc2: {  	v0 =	vadd.f32 v0, v1;
	_ =	sdelay $0x1  }
0xc3: {  	s3 =	sadd.s32 $0x10, s3;
	s0 =	sadd.s32 $0x10, s0;
	[tilespmem:s2+$0x0] =	vst v0;
	s2 =	sadd.s32 $0x10, s2  }
0xc4: {  	[hbm4b:s12+s4] =	stream.linear.scatter [tilespmem:s29], [sflag:$0x4], $0x28B0, $0x38;
	[tilespmem:$0xF700] =	vst v63  }
0xc5: {  	_ =	swait.ge [sflag:s25], $0x28B0  }
0xc6: {  	[sflag:s25] =	ssyncset.done $0x0  }
0xc7: {  	[sflag:s25] =	ssyncadd.s32 $0xFFFFD750  }
0xc8: {  	_ =	swait.ge [sflag:s25], $0x28B0  }
0xc9: {  	[sflag:s25] =	ssyncset.done $0x0  }
0xca: {  	[sflag:s25] =	ssyncadd.s32 $0xFFFFD750  }
0xcb: {  	_ =	swait.ge [sflag:s21], $0x28B0  }
0xcc: {  	[sflag:s21] =	ssyncset.done $0x0  }
0xcd: {  	s0 =	simm.s32 $0x20;
	[sflag:s21] =	ssyncadd.s32 $0xFFFFD750  }
0xce: {  	v0 =	vld [tilespmem:s0+$0x10]  }
0xcf: {  	v3 =	vld [tilespmem:s0+$0xFFFFFFE0]  }
0xd0: {  	v4 =	vld [tilespmem:s0+$0xFFFFFFF0]  }
0xd1: {  	s23 =	simm.s32 $0x5220;
	v5 =	vld [tilespmem:s0+$0x0]  }
0xd2: {  	v7 =	vld [tilespmem:s23+$0x10]  }
0xd3: {  	v12 =	vld [tilespmem:s23+$0xFFFFFFE0]  }
0xd4: {  	s1 =	simm.s32 $0x60;
	v13 =	vld [tilespmem:s23+$0xFFFFFFF0]  }
0xd5: {  	v14 =	vld [tilespmem:s1+$0x10]  }
0xd6: {  	v1 =	vld [tilespmem:s1+$0x0]  }
0xd7: {  	v2 =	vld [tilespmem:s1+$0xFFFFFFE0]  }
0xd8: {  	v15 =	vld [tilespmem:s23+$0x0]  }
0xd9: {  	v6 =	vld.idx.msk [tilespmem:v0+s20+$0x0], $0xffff  }
0xda: {  	v8 =	vld.idx.msk [tilespmem:v0+s19+$0x0], $0xffff  }
0xdb: {  	v9 =	vld.idx.msk [tilespmem:v3+s20+$0x0], $0xffff  }
0xdc: {  	v10 =	vld.idx.msk [tilespmem:v4+s20+$0x0], $0xffff  }
0xdd: {  	v11 =	vld.idx.msk [tilespmem:v5+s20+$0x0], $0xffff  }
0xde: {  	v0 =	vld [tilespmem:s1+$0xFFFFFFF0]  }
0xdf: {  	v3 =	vld.idx.msk [tilespmem:v3+s19+$0x0], $0xffff  }
0xe0: {  	v16 =	vld.idx.msk [tilespmem:v4+s19+$0x0], $0xffff  }
0xe1: {  	v17 =	vld.idx.msk [tilespmem:v5+s19+$0x0], $0xffff  }
0xe2: {  	s2 =	simm.s32 $0x5260;
	v18 =	vld.idx.msk [tilespmem:v14+s20+$0x0], $0xffff;
	v4 =	vmul.f32 v6, v7  }
0xe3: {  	v5 =	vmul.f32 v9, v12;
	v9 =	vld [tilespmem:s2+$0x10]  }
0xe4: {  	v6 =	vld.idx.msk [tilespmem:v14+s19+$0x0], $0xffff;
	v7 =	vadd.f32 v8, v4;
	v8 =	vmul.f32 v10, v13  }
0xe5: {  	s0 =	simm.s32 $0xA420;
	v10 =	vmul.f32 v11, v15;
	v11 =	vadd.f32 v3, v5;
	v4 =	vld.idx.msk [tilespmem:v2+s20+$0x0], $0xffff  }
0xe6: {  	v3 =	vld.idx.msk [tilespmem:v1+s20+$0x0], $0xffff;
	[tilespmem:s0+$0x10] =	vst v7;
	v8 =	vadd.f32 v16, v8  }
0xe7: {  	v5 =	vld.idx.msk [tilespmem:v0+s20+$0x0], $0xffff;
	[tilespmem:s0+$0xFFFFFFE0] =	vst v11;
	v10 =	vadd.f32 v17, v10  }
0xe8: {  	v7 =	vld [tilespmem:s2+$0xFFFFFFE0];
	v9 =	vmul.f32 v18, v9;
	[tilespmem:s0+$0xFFFFFFF0] =	vst v8  }
0xe9: {  	s3 =	simm.s32 $0xA0;
	s1 =	simm.s32 $0x40;
	v8 =	vld [tilespmem:s2+$0xFFFFFFF0];
	[tilespmem:s0+$0x0] =	vst v10  }
.LBB2_10:
0xea: {  	v10 =	vld [tilespmem:s3+$0x10];
	s1 =	sadd.s32 $0x40, s1;
	v6 =	vadd.f32 v6, v9  }
0xeb: {  	s0 =	sadd.s32 $0x40, s0;
	v9 =	vld [tilespmem:s3+$0xFFFFFFF0];
	p1 =	slt.u32 s1, $0x2840  }
0xec: {  	v11 =	vld [tilespmem:s3+$0x0];
	[tilespmem:s0+$0x10] =	vst v6  }
0xed: {  	v12 =	vld [tilespmem:s3+$0xFFFFFFE0];
	v7 =	vmul.f32 v4, v7  }
0xee: {  	v8 =	vmul.f32 v5, v8;
	v4 =	vld [tilespmem:s2+$0x0]  }
0xef: {  	v5 =	vld.idx.msk [tilespmem:v2+s19+$0x0], $0xffff  }
0xf0: {  	v13 =	vld.idx.msk [tilespmem:v0+s19+$0x0], $0xffff;
	v0 =	vmov v9  }
0xf1: {  	v9 =	vld.idx.msk [tilespmem:v1+s19+$0x0], $0xffff;
	v1 =	vmov v11  }
0xf2: {  	s2 =	sadd.s32 $0x40, s2;
	v11 =	vld.idx.msk [tilespmem:v10+s20+$0x0], $0xffff;
	v2 =	vmov v12  }
0xf3: {  	v14 =	vld [tilespmem:s2+$0x10];
	v15 =	vmul.f32 v3, v4  }
0xf4: {  	v6 =	vld.idx.msk [tilespmem:v10+s19+$0x0], $0xffff  }
.Ltmp6:
0xf5: {  	v7 =	vadd.f32 v5, v7;
	v4 =	vld.idx.msk [tilespmem:v12+s20+$0x0], $0xffff;
	(pc) =	sbr.rel @p1 .LBB2_10-.Ltmp6, $4  }
0xf6: {  	v8 =	vadd.f32 v13, v8;
	v5 =	vld.idx.msk [tilespmem:v0+s20+$0x0], $0xffff  }
0xf7: {  	v10 =	vadd.f32 v9, v15;
	v3 =	vld.idx.msk [tilespmem:v1+s20+$0x0], $0xffff;
	[tilespmem:s0+$0xFFFFFFE0] =	vst v7  }
0xf8: {  	v7 =	vld [tilespmem:s2+$0xFFFFFFE0];
	v9 =	vmul.f32 v11, v14;
	[tilespmem:s0+$0xFFFFFFF0] =	vst v8  }
0xf9: {  	s3 =	sadd.s32 $0x40, s3;
	v8 =	vld [tilespmem:s2+$0xFFFFFFF0];
	[tilespmem:s0+$0x0] =	vst v10  }
0xfa: {  	_ =	sdelay $0x2  }
0xfb: {  	v10 =	vld [tilespmem:s2+$0x0]  }
0xfc: {  	v2 =	vld.idx.msk [tilespmem:v2+s19+$0x0], $0xffff  }
0xfd: {  	v0 =	vld.idx.msk [tilespmem:v0+s19+$0x0], $0xffff  }
0xfe: {  	v1 =	vld.idx.msk [tilespmem:v1+s19+$0x0], $0xffff  }
0xff: {  	v4 =	vmul.f32 v4, v7  }
0x100: {  	v6 =	vadd.f32 v6, v9;
	v5 =	vmul.f32 v5, v8  }
0x101: {  	s23 =	sadd.s32 $0x40, s0;
	v3 =	vmul.f32 v3, v10;
	v2 =	vadd.f32 v2, v4  }
0x102: {  	[tilespmem:s23+$0x10] =	vst v6;
	v0 =	vadd.f32 v0, v5  }
0x103: {  	[tilespmem:s23+$0xFFFFFFE0] =	vst v2;
	v1 =	vadd.f32 v1, v3  }
0x104: {  	s0 =	simm.s32 $0x2880;
	[tilespmem:s23+$0xFFFFFFF0] =	vst v0  }
0x105: {  	s1 =	simm.s32 $0x2870;
	s2 =	simm.s32 $0xCC80;
	s3 =	simm.s32 $0x7A80;
	[tilespmem:s23+$0x0] =	vst v1  }
.LBB2_12:
0x106: {  	v0 =	vld [tilespmem:s0+$0x0];
	_ =	sdelay $0x6  }
0x107: {  	v1 =	vld [tilespmem:s3+$0x0]  }
0x108: {  	v2 =	vld.idx.msk [tilespmem:v0+s20+$0x0], $0xffff;
	_ =	sdelay $0x1  }
0x109: {  	v0 =	vld.idx.msk [tilespmem:v0+s19+$0x0], $0xffff  }
0x10a: {  	s1 =	sadd.s32 $0x10, s1  }
0x10b: {  	p1 =	slt.u32 s1, $0x28A0  }
.Ltmp7:
0x10c: {  	v1 =	vmul.f32 v2, v1;
	(pc) =	sbr.rel @p1 .LBB2_12-.Ltmp7, $3  }
0x10d: {  	_ = 	snop  }
0x10e: {  	v0 =	vadd.f32 v0, v1;
	_ =	sdelay $0x1  }
0x10f: {  	s3 =	sadd.s32 $0x10, s3;
	s0 =	sadd.s32 $0x10, s0;
	[tilespmem:s2+$0x0] =	vst v0;
	s2 =	sadd.s32 $0x10, s2  }
0x110: {  	[hbm4b:s13+s4] =	stream.linear.scatter [tilespmem:s26], [sflag:$0x3], $0x28B0, $0x38;
	[tilespmem:$0xF700] =	vst v63  }
0x111: {  	_ =	swait.ge [sflag:s21], $0x28B0  }
.Ltmp8:
0x112: {  	[sflag:s21] =	ssyncset.done $0x0;
	(pc) =	sbr.rel @p0 .LBB2_17-.Ltmp8, $4  }
0x113: {  	[sflag:s21] =	ssyncadd.s32 $0xFFFFD750  }
0x114: {  	_ =	swait.ge [sflag:s22], $0x28B0  }
0x115: {  	[sflag:s22] =	ssyncset.done $0x0  }
0x116: {  	[sflag:s22] =	ssyncadd.s32 $0xFFFFD750  }
0x117: {  	s0 =	simm.s32 $0x0  }
0x118: {  	[tilespmem:s0], [sflag:$0x5] =	stream.linear.gather [hbm4b:s14+s0], $0x40, $0x38;
	[tilespmem:$0xF700] =	vst v63  }
0x119: {  	_ =	swait.ge [sflag:s30], $0x40  }
0x11a: {  	[sflag:s30] =	ssyncset.done $0x0  }
0x11b: {  	s1 =	simm.s32 $0x5200;
	[sflag:s30] =	ssyncadd.s32 $0xFFFFFFC0  }
0x11c: {  	[tilespmem:s1], [sflag:$0x5] =	stream.linear.gather [hbm4b:s15+s0], $0x40, $0x38;
	[tilespmem:$0xF700] =	vst v63  }
0x11d: {  	_ =	swait.ge [sflag:s30], $0x40  }
0x11e: {  	[sflag:s30] =	ssyncset.done $0x0  }
0x11f: {  	[sflag:s30] =	ssyncadd.s32 $0xFFFFFFC0  }
0x120: {  	v1 =	vld [tilespmem:s0+$0x0];
	_ =	sdelay $0x5  }
0x121: {  	s23 =	simm.s32 $0x10;
	v2 =	vld [tilespmem:s1+$0x0]  }
0x122: {  	v0 =	vld [tilespmem:s23+$0x0]  }
0x123: {  	v3 =	vld.idx.msk [tilespmem:v1+s20+$0x0], $0xffff;
	_ =	sdelay $0x1  }
0x124: {  	v4 =	vld.idx.msk [tilespmem:v1+s19+$0x0], $0xffff;
	_ =	sdelay $0x2  }
0x125: {  	v2 =	vmul.f32 v3, v2  }
0x126: {  	s1 =	simm.s32 $0x5210  }
0x127: {  	v1 =	vld [tilespmem:s1+$0x0];
	v3 =	vadd.f32 v4, v2  }
0x128: {  	s2 =	simm.s32 $0x10;
	s3 =	simm.s32 $0x20;
	s0 =	simm.s32 $0xA400;
	v2 =	vld.idx.msk [tilespmem:v0+s20+$0x0], $0xffff  }
.LBB2_15:
0x129: {  	v4 =	vld [tilespmem:s3+$0x0];
	s2 =	sadd.s32 $0x10, s2;
	[tilespmem:s0+$0x0] =	vst v3  }
0x12a: {  	p1 =	slt.u32 s2, $0x30;
	v3 =	vld.idx.msk [tilespmem:v0+s19+$0x0], $0xffff;
	_ =	sdelay $0x2  }
.Ltmp9:
0x12b: {  	(pc) =	sbr.rel @p1 .LBB2_15-.Ltmp9, $4  }
0x12c: {  	v2 =	vmul.f32 v2, v1;
	v0 =	vmov v4  }
0x12d: {  	s1 =	sadd.s32 $0x10, s1  }
0x12e: {  	v3 =	vadd.f32 v3, v2;
	v1 =	vld [tilespmem:s1+$0x0]  }
0x12f: {  	s3 =	sadd.s32 $0x10, s3;
	s0 =	sadd.s32 $0x10, s0;
	v2 =	vld.idx.msk [tilespmem:v4+s20+$0x0], $0xffff  }
.Ltmp10:
0x130: {  	_ = 	snop;
	(pc) =	sbr.rel .LBB2_16-.Ltmp10, $1  }
0x131: {  	_ =	sdelay $0x3  }
.LBB2_18:
0x132: {  	_ =	sfence.sel $0x180000  }
0x133: {  	[bflag:$0x0] =	sbarrier.arrive $0xFFFF  }
0x134: {  	_ =	strace $0x90000047  }
0x135: {  	s0 =	stileid.u32;
	[bflag:$0x2] =	sbarrier.arrive $0xFFFF  }
0x136: {  	p0 =	sne.s32 s0, $0x0;
	s0 =	rddreg [dreg:$0x5]  }
0x137: {  	s0 =	sadd.s32 @!p0 $0x100000, s0  }
0x138: {  	[sflag:s0] =	ssyncadd.tile.s32 @!p0 $0x1;
	_ =	shalt  }
.Lfunc_end2:
_tile_overlayer_lowered:
.L_overlay_start_2:
0x139: {  	(tag) =	ssettag $0x2  }
0x13a: {  	s0 =	rddreg [dreg:$0x0];
	s2 =	stileid.u32  }
0x13b: {  	s1 =	rddreg [dreg:$0x1];
	p0 =	sne.s32 s2, $0x0  }
0x13c: {  	s3 =	rddreg [dreg:$0x2];
	[bflag:$0x3] =	sbarrier.arrive $0xFFFF;
	s2 =	simm.s32 @!p0 $0x1C05  }
0x13d: {  	[timem:s3], [sflag:s2] =	dma.local @!p0 [hbm:s0], s1  }
0x13e: {  	s0 =	simm.s32 @!p0 $0x5  }
0x13f: {  	_ =	swait.ge @!p0 [sflag:s0], s1  }
0x140: {  	s1 =	ssub.s32 @!p0 $0x0, s1;
	[sflag:s0] =	ssyncset.done @!p0 $0x0  }
0x141: {  	[sflag:s0] =	ssyncadd.s32 @!p0 s1  }
0x142: {  	[bflag:$0x3] =	sbarrier.arrive $0xFFFF  }
0x143: {  	_ =	shalt  }

</sc_bundles>
